<compile_context>
chip_gen: v7x
topology: tpu7x:2x2x1
jax: 0.10.2.dev20260603
libtpu: 0.0.44.dev20260713+nightly
codegen_flags: <defaults>
</compile_context>

<pallas_src>
import functools

import jax
import jax.numpy as jnp
from jax import lax
from jax.experimental import pallas as pl
from jax.experimental.pallas import tpu as pltpu
from jax.experimental.pallas import tpu_sc as plsc

_VOCAB = 1_000_000
_DIM = 16
_BATCH = 16384
_HIST = 200
_B = _BATCH * _HIST

_NC = 2
_NS = 16
_NW = _NC * _NS
_CHUNK = 1024
_NCHUNK = _B // _CHUNK
_CPW = _NCHUNK // _NW
_TPB = _BATCH // 128
_CPH = _BATCH // _CHUNK
_IBUF = 4
_GBUF = 2
_TBUF = 2

_mesh = plsc.VectorSubcoreMesh(core_axis_name="c", subcore_axis_name="s")

_TGROUP = 1024
_NFULL = (_VOCAB // 128) // 8 * 8
_NGRP = _NFULL // 8
_GPW = 31
_TAIL = _VOCAB - _NFULL * 128


@functools.partial(
    pl.kernel,
    mesh=_mesh,
    out_type=jax.ShapeDtypeStruct((_VOCAB * _DIM,), jnp.float32),
    compiler_params=pltpu.CompilerParams(use_tc_tiling_on_sc=True,
                                         needs_layout_passes=False),
    scratch_types=[
        pltpu.VMEM((2, 2, 8, _TGROUP), jnp.float32),
        pltpu.VMEM((2, _TGROUP * _DIM), jnp.float32),
        pltpu.SemaphoreType.DMA((2,)),
        pltpu.SemaphoreType.DMA((2,)),
    ],
)
def _detile_table(tableT_hbm, tail_hbm, out_hbm, ibuf, obuf, rd_sem, st_sem):
    wid = lax.axis_index("s") * _NC + lax.axis_index("c")
    lane = lax.iota(jnp.int32, 16)
    drv = lax.shift_right_logical(lane, 3)
    sv = lax.bitwise_and(lane, 7)

    def grp(m):
        return wid + m * _NW

    def read_copies(m):
        r = lax.rem(m, 2)
        t0 = grp(m) * _TGROUP
        return [
            pltpu.make_async_copy(
                tableT_hbm.at[pl.ds(dr * 8, 8), pl.ds(t0, _TGROUP)],
                ibuf.at[r, dr], rd_sem.at[r])
            for dr in range(2)
        ]

    def store_copy(m):
        r = lax.rem(m, 2)
        return pltpu.make_async_copy(
            obuf.at[r],
            out_hbm.at[pl.ds(grp(m) * (_TGROUP * _DIM), _TGROUP * _DIM)],
            st_sem.at[r])

    def transpose_group(m):
        r = lax.rem(m, 2)

        def body(t, carry):
            v = plsc.load_gather(ibuf.at[r],
                                 [drv, sv, lax.broadcast(t, (16,))])
            obuf[r, pl.ds(t * _DIM, _DIM)] = v
            return carry

        lax.fori_loop(0, _TGROUP, body, 0)

    def step(m, carry):
        @pl.when(jnp.logical_and(m < _GPW, grp(m) < _NGRP))
        def _():
            for cp in read_copies(m):
                cp.start()

        k = m - 1

        @pl.when(jnp.logical_and(k >= 0, grp(k) < _NGRP))
        def _():
            for cp in read_copies(k):
                cp.wait()

            @pl.when(k >= 2)
            def _():
                store_copy(k - 2).wait()

            transpose_group(k)
            store_copy(k).start()

        return carry

    lax.fori_loop(0, _GPW + 1, step, 0)

    for t in range(2):
        m = _GPW - 2 + t

        @pl.when(grp(m) < _NGRP)
        def _():
            store_copy(m).wait()

    @pl.when(wid == 0)
    def _():
        cp = pltpu.make_async_copy(
            tail_hbm, obuf.at[0, pl.ds(0, _TAIL * _DIM)], rd_sem.at[0])
        cp.start()
        cp.wait()
        cp2 = pltpu.make_async_copy(
            obuf.at[0, pl.ds(0, _TAIL * _DIM)],
            out_hbm.at[pl.ds(_NFULL * 128 * _DIM, _TAIL * _DIM)],
            st_sem.at[0])
        cp2.start()
        cp2.wait()


@functools.partial(
    pl.kernel,
    mesh=_mesh,
    out_type=jax.ShapeDtypeStruct((_B * _DIM,), jnp.float32),
    compiler_params=pltpu.CompilerParams(use_tc_tiling_on_sc=False,
                                         needs_layout_passes=False),
    scratch_types=[
        pltpu.VMEM((_IBUF, _CHUNK), jnp.int32),
        pltpu.VMEM((_GBUF, _CHUNK, _DIM), jnp.float32),
        pltpu.VMEM((_TBUF, _CHUNK * _DIM), jnp.float32),
        pltpu.SemaphoreType.DMA((_IBUF,)),
        pltpu.SemaphoreType.DMA((_GBUF,)),
        pltpu.SemaphoreType.DMA((_TBUF,)),
    ],
)
def _gather_tiled(idx_hbm, table_hbm, out_hbm, idx_v, rows_g, rows_t,
                  idx_sem, gat_sem, st_sem):
    wid = lax.axis_index("s") * _NC + lax.axis_index("c")
    c0 = wid * _CPW
    lane = lax.iota(jnp.int32, 16)

    def idx_copy(c):
        b = lax.rem(c, _IBUF)
        return pltpu.make_async_copy(
            idx_hbm.at[pl.ds(c * _CHUNK, _CHUNK)], idx_v.at[b],
            idx_sem.at[b])

    def gather_copy(c):
        ib = lax.rem(c, _IBUF)
        gb = lax.rem(c, _GBUF)
        return pltpu.make_async_copy(
            table_hbm.at[idx_v.at[ib]], rows_g.at[gb], gat_sem.at[gb])

    def store_copies(c):
        tb = lax.rem(c, _TBUF)
        h = c // _CPH
        tile0 = lax.rem(c, _CPH) * (_CHUNK // 128)
        seg = _CHUNK * 8
        return [
            pltpu.make_async_copy(
                rows_t.at[tb, pl.ds(dr * seg, seg)],
                out_hbm.at[pl.ds(((h * 2 + dr) * _TPB + tile0) * 1024, seg)],
                st_sem.at[tb])
            for dr in range(2)
        ]

    def transpose_chunk(c):
        gb = lax.rem(c, _GBUF)
        tb = lax.rem(c, _TBUF)

        def body(t, carry):
            bt = t // 8
            s = lax.rem(t, 8)
            for dr in range(2):
                d = dr * 8 + s
                dvec = lax.broadcast(d, (16,))
                for l16 in range(8):
                    rowbase = bt * 128 + l16 * 16
                    v = plsc.load_gather(rows_g.at[gb],
                                         [rowbase + lane, dvec])
                    pos = dr * (_CHUNK * 8) + t * 128 + l16 * 16
                    rows_t[tb, pl.ds(pos, 16)] = v
            return carry

        lax.fori_loop(0, 64, body, 0)

    def step(i, carry):
        @pl.when(i < _CPW)
        def _():
            idx_copy(c0 + i).start()

        j = i - 1

        @pl.when(jnp.logical_and(j >= 0, j < _CPW))
        def _():
            idx_copy(c0 + j).wait()
            gather_copy(c0 + j).start()

        k = i - 2

        @pl.when(jnp.logical_and(k >= 0, k < _CPW))
        def _():
            gather_copy(c0 + k).wait()

            @pl.when(k >= _TBUF)
            def _():
                for cp in store_copies(c0 + k - _TBUF):
                    cp.wait()

            transpose_chunk(c0 + k)
            for cp in store_copies(c0 + k):
                cp.start()

        return carry

    lax.fori_loop(0, _CPW + 2, step, 0)

    for t in range(_TBUF):
        for cp in store_copies(c0 + _CPW - _TBUF + t):
            cp.wait()


def kernel(x, table):
    idx = x.T.reshape(_B)
    tail = table[_NFULL * 128:].reshape(_TAIL * _DIM)
    table_lin = _detile_table(table.T, tail).reshape(_VOCAB, _DIM)
    out = _gather_tiled(idx, table_lin)
    out5 = out.reshape(_HIST, 2, _TPB, 8, 128)
    return out5.transpose(2, 4, 0, 1, 3).reshape(_BATCH, _HIST, _DIM)

# --- scband reference (transcript-rebuilt; emitter-appended) ---
"""Pipeline reference for scband-input-embedding-85212151153017 (READ-ONLY COPY).

The authoritative reference and input builder live on the scoring server;
editing this copy changes nothing except your own understanding.
"""

import jax, jax.numpy as jnp
import numpy as np

VOCAB = 1000000
DIM = 16
BATCH = 16384
HIST = 200

def setup_inputs(seed: int = 0) -> dict:
    key = jax.random.key(seed)
    k1, k2 = jax.random.split(key)
    # tokenizer is modeled as identity: x is already integer token ids in [0, VOCAB)
    x = jax.random.randint(k1, (BATCH, HIST), 0, VOCAB, dtype=jnp.int32)
    # learned embedding table (nn.Embedding default init ~ N(0,1); scaled here)
    table = jax.random.normal(k2, (VOCAB, DIM), dtype=jnp.float32)
    return {"x": x, "table": table}

def reference(x, table):
    # tokenizer(x, vocab) treated as identity mapping to token ids,
    # then embedding_weight[x] -> gather rows from the table
    return jnp.take(table, x, axis=0)

if __name__ == "__main__":
    import jax
    _d = setup_inputs()
    print(jax.jit(kernel)(*tuple(_d.values())))

</pallas_src>

<mosaic_0001>
#map = affine_map<(d0, d1) -> (0)>
#map1 = affine_map<(d0, d1) -> (0, 0)>
module attributes {stable_mosaic.version = 14 : i64} {
  func.func @_gather_tiled(%arg0: i32, %arg1: i32, %arg2: memref<3276800xi32, #tpu.memory_space<hbm>>, %arg3: memref<1000000x16xf32, #tpu.memory_space<hbm>>, %arg4: memref<52428800xf32, #tpu.memory_space<hbm>>, %arg5: memref<4x1024xi32, #tpu.memory_space<vmem>>, %arg6: memref<2x1024x16xf32, #tpu.memory_space<vmem>>, %arg7: memref<2x16384xf32, #tpu.memory_space<vmem>>, %arg8: memref<4x!tpu.dma_semaphore, #tpu.memory_space<semaphore_mem>>, %arg9: memref<2x!tpu.dma_semaphore, #tpu.memory_space<semaphore_mem>>, %arg10: memref<2x!tpu.dma_semaphore, #tpu.memory_space<semaphore_mem>>) attributes {dimension_semantics = [#tpu.dimension_semantics<core_parallel>, #tpu.dimension_semantics<subcore_parallel>], iteration_bounds = array<i64: 2, 16>, scalar_prefetch = 0 : i64, scratch_operands = 6 : i64, tpu.core_type = #tpu.core_type<sc_vector_subcore>, window_params = [{transform_indices = #map}, {transform_indices = #map1}, {transform_indices = #map}]} {
    %mul3A = arith.constant 2 : i32
    %mul3A_0 = arith.muli %arg1, %mul3A : i32
    %add3A = arith.addi %mul3A_0, %arg0 : i32
    %mul3A_1 = arith.constant 100 : i32
    %mul3A_2 = arith.muli %add3A, %mul3A_1 : i32
    %iota3A = tpu.iota {dimensions = array<i32: 0>} : vector<16xi32>
    %scan3A = arith.constant 0 : i32
    %scan3A_3 = arith.constant 0 : i32
    %scan3A_4 = arith.constant 102 : i32
    %scan3A_5 = arith.addi %scan3A_3, %scan3A_4 : i32
    %scan3A_6 = arith.constant 1 : i32
    scf.for %scan3A_147 = %scan3A_3 to %scan3A_5 step %scan3A_6  : i32 {
      %lt3A = arith.constant 100 : i32
      %lt3A_148 = arith.cmpi slt, %scan3A_147, %lt3A : i32
      %convert_element_type3A = arith.extui %lt3A_148 : i1 to i32
      %cond3A = arith.constant 0 : i32
      %cond3A_149 = arith.cmpi ne, %convert_element_type3A, %cond3A : i32
      scf.if %cond3A_149 {
        %add3A_169 = arith.addi %mul3A_2, %scan3A_147 : i32
        %rem3A_170 = arith.constant 4 : i32
        %rem3A_171 = arith.remsi %add3A_169, %rem3A_170 : i32
        %mul3A_172 = arith.constant 1024 : i32
        %mul3A_173 = arith.muli %add3A_169, %mul3A_172 : i32
        %dma_start3A = arith.constant 0 : i32
        %dma_start3A_174 = tpu.memref_slice %arg5[%rem3A_171, %dma_start3A] : memref<4x1024xi32, #tpu.memory_space<vmem>> -> memref<1x1024xi32, #tpu.memory_space<vmem>>
        %dma_start3A_175 = tpu.memref_squeeze %dma_start3A_174 : memref<1x1024xi32, #tpu.memory_space<vmem>> -> memref<1024xi32, #tpu.memory_space<vmem>>
        %dma_start3A_176 = tpu.memref_slice %arg2[%mul3A_173] : memref<3276800xi32, #tpu.memory_space<hbm>> -> memref<1024xi32, #tpu.memory_space<hbm>>
        %dma_start3A_177 = tpu.memref_slice %arg8[%rem3A_171] : memref<4x!tpu.dma_semaphore, #tpu.memory_space<semaphore_mem>> -> memref<1x!tpu.dma_semaphore, #tpu.memory_space<semaphore_mem>>
        %dma_start3A_178 = tpu.memref_squeeze %dma_start3A_177 : memref<1x!tpu.dma_semaphore, #tpu.memory_space<semaphore_mem>> -> memref<!tpu.dma_semaphore, #tpu.memory_space<semaphore_mem>>
        %dma_start3A_179 = arith.constant 0 : i32
        %dma_start3A_180 = tpu.memref_slice %arg5[%rem3A_171, %dma_start3A_179] : memref<4x1024xi32, #tpu.memory_space<vmem>> -> memref<1x1024xi32, #tpu.memory_space<vmem>>
        %dma_start3A_181 = tpu.memref_squeeze %dma_start3A_180 : memref<1x1024xi32, #tpu.memory_space<vmem>> -> memref<1024xi32, #tpu.memory_space<vmem>>
        %dma_start3A_182 = tpu.memref_slice %arg2[%mul3A_173] : memref<3276800xi32, #tpu.memory_space<hbm>> -> memref<1024xi32, #tpu.memory_space<hbm>>
        tpu.enqueue_dma source(%dma_start3A_182 : memref<1024xi32, #tpu.memory_space<hbm>>) target(%dma_start3A_181 : memref<1024xi32, #tpu.memory_space<vmem>>) target_semaphore(%dma_start3A_178 : memref<!tpu.dma_semaphore, #tpu.memory_space<semaphore_mem>>)
      } else {
      }
      %sub3A_150 = arith.constant 1 : i32
      %sub3A_151 = arith.subi %scan3A_147, %sub3A_150 : i32
      %ge3A = arith.constant 0 : i32
      %ge3A_152 = arith.cmpi sge, %sub3A_151, %ge3A : i32
      %lt3A_153 = arith.constant 100 : i32
      %lt3A_154 = arith.cmpi slt, %sub3A_151, %lt3A_153 : i32
      %and3A_155 = arith.andi %ge3A_152, %lt3A_154 : i1
      %convert_element_type3A_156 = arith.extui %and3A_155 : i1 to i32
      %cond3A_157 = arith.constant 0 : i32
      %cond3A_158 = arith.cmpi ne, %convert_element_type3A_156, %cond3A_157 : i32
      scf.if %cond3A_158 {
        %add3A_169 = arith.addi %mul3A_2, %sub3A_151 : i32
        %rem3A_170 = arith.constant 4 : i32
        %rem3A_171 = arith.remsi %add3A_169, %rem3A_170 : i32
        %mul3A_172 = arith.constant 1024 : i32
        %mul3A_173 = arith.muli %add3A_169, %mul3A_172 : i32
        %dma_wait3A_174 = arith.constant 0 : i32
        %dma_wait3A_175 = tpu.memref_slice %arg5[%rem3A_171, %dma_wait3A_174] : memref<4x1024xi32, #tpu.memory_space<vmem>> -> memref<1x1024xi32, #tpu.memory_space<vmem>>
        %dma_wait3A_176 = tpu.memref_squeeze %dma_wait3A_175 : memref<1x1024xi32, #tpu.memory_space<vmem>> -> memref<1024xi32, #tpu.memory_space<vmem>>
        %dma_wait3A_177 = tpu.memref_slice %arg2[%mul3A_173] : memref<3276800xi32, #tpu.memory_space<hbm>> -> memref<1024xi32, #tpu.memory_space<hbm>>
        %dma_wait3A_178 = tpu.memref_slice %arg8[%rem3A_171] : memref<4x!tpu.dma_semaphore, #tpu.memory_space<semaphore_mem>> -> memref<1x!tpu.dma_semaphore, #tpu.memory_space<semaphore_mem>>
        %dma_wait3A_179 = tpu.memref_squeeze %dma_wait3A_178 : memref<1x!tpu.dma_semaphore, #tpu.memory_space<semaphore_mem>> -> memref<!tpu.dma_semaphore, #tpu.memory_space<semaphore_mem>>
        %dma_wait3A_180 = arith.constant 0 : i32
        %dma_wait3A_181 = tpu.memref_slice %arg5[%rem3A_171, %dma_wait3A_180] : memref<4x1024xi32, #tpu.memory_space<vmem>> -> memref<1x1024xi32, #tpu.memory_space<vmem>>
        %dma_wait3A_182 = tpu.memref_squeeze %dma_wait3A_181 : memref<1x1024xi32, #tpu.memory_space<vmem>> -> memref<1024xi32, #tpu.memory_space<vmem>>
        %dma_wait3A_183 = tpu.memref_slice %arg2[%mul3A_173] : memref<3276800xi32, #tpu.memory_space<hbm>> -> memref<1024xi32, #tpu.memory_space<hbm>>
        tpu.wait_dma2 semaphore(%dma_wait3A_179 : memref<!tpu.dma_semaphore, #tpu.memory_space<semaphore_mem>>) src(%dma_wait3A_183 : memref<1024xi32, #tpu.memory_space<hbm>>) dst(%dma_wait3A_182 : memref<1024xi32, #tpu.memory_space<vmem>>)
        %add3A_184 = arith.addi %mul3A_2, %sub3A_151 : i32
        %rem3A_185 = arith.constant 4 : i32
        %rem3A_186 = arith.remsi %add3A_184, %rem3A_185 : i32
        %rem3A_187 = arith.constant 2 : i32
        %rem3A_188 = arith.remsi %add3A_184, %rem3A_187 : i32
        %dma_start3A = arith.constant 0 : i32
        %dma_start3A_189 = arith.constant 0 : i32
        %dma_start3A_190 = tpu.memref_slice %arg6[%rem3A_188, %dma_start3A, %dma_start3A_189] : memref<2x1024x16xf32, #tpu.memory_space<vmem>> -> memref<1x1024x16xf32, #tpu.memory_space<vmem>>
        %dma_start3A_191 = tpu.memref_squeeze %dma_start3A_190 : memref<1x1024x16xf32, #tpu.memory_space<vmem>> -> memref<1024x16xf32, #tpu.memory_space<vmem>>
        %dma_start3A_192 = arith.constant 0 : i32
        %dma_start3A_193 = tpu.memref_slice %arg5[%rem3A_186, %dma_start3A_192] : memref<4x1024xi32, #tpu.memory_space<vmem>> -> memref<1x1024xi32, #tpu.memory_space<vmem>>
        %dma_start3A_194 = tpu.memref_squeeze %dma_start3A_193 : memref<1x1024xi32, #tpu.memory_space<vmem>> -> memref<1024xi32, #tpu.memory_space<vmem>>
        %dma_start3A_195 = arith.constant 0 : i32
        %dma_start3A_196 = arith.constant 0 : i32
        %dma_start3A_197 = tpu.memref_slice %arg3[%dma_start3A_195, %dma_start3A_196] : memref<1000000x16xf32, #tpu.memory_space<hbm>> -> memref<1000000x16xf32, #tpu.memory_space<hbm>>
        %dma_start3A_198 = tpu.memref_slice %arg9[%rem3A_188] : memref<2x!tpu.dma_semaphore, #tpu.memory_space<semaphore_mem>> -> memref<1x!tpu.dma_semaphore, #tpu.memory_space<semaphore_mem>>
        %dma_start3A_199 = tpu.memref_squeeze %dma_start3A_198 : memref<1x!tpu.dma_semaphore, #tpu.memory_space<semaphore_mem>> -> memref<!tpu.dma_semaphore, #tpu.memory_space<semaphore_mem>>
        tpu.enqueue_indirect_dma source(%dma_start3A_197 : memref<1000000x16xf32, #tpu.memory_space<hbm>>) target(%dma_start3A_191 : memref<1024x16xf32, #tpu.memory_space<vmem>>) offsets(%dma_start3A_194 : memref<1024xi32, #tpu.memory_space<vmem>>) semaphore(%dma_start3A_199 : memref<!tpu.dma_semaphore, #tpu.memory_space<semaphore_mem>>)
      } else {
      }
      %sub3A_159 = arith.constant 2 : i32
      %sub3A_160 = arith.subi %scan3A_147, %sub3A_159 : i32
      %ge3A_161 = arith.constant 0 : i32
      %ge3A_162 = arith.cmpi sge, %sub3A_160, %ge3A_161 : i32
      %lt3A_163 = arith.constant 100 : i32
      %lt3A_164 = arith.cmpi slt, %sub3A_160, %lt3A_163 : i32
      %and3A_165 = arith.andi %ge3A_162, %lt3A_164 : i1
      %convert_element_type3A_166 = arith.extui %and3A_165 : i1 to i32
      %cond3A_167 = arith.constant 0 : i32
      %cond3A_168 = arith.cmpi ne, %convert_element_type3A_166, %cond3A_167 : i32
      scf.if %cond3A_168 {
        %add3A_169 = arith.addi %mul3A_2, %sub3A_160 : i32
        %rem3A_170 = arith.constant 4 : i32
        %rem3A_171 = arith.remsi %add3A_169, %rem3A_170 : i32
        %rem3A_172 = arith.constant 2 : i32
        %rem3A_173 = arith.remsi %add3A_169, %rem3A_172 : i32
        %dma_wait3A_174 = arith.constant 0 : i32
        %dma_wait3A_175 = arith.constant 0 : i32
        %dma_wait3A_176 = tpu.memref_slice %arg6[%rem3A_173, %dma_wait3A_174, %dma_wait3A_175] : memref<2x1024x16xf32, #tpu.memory_space<vmem>> -> memref<1x1024x16xf32, #tpu.memory_space<vmem>>
        %dma_wait3A_177 = tpu.memref_squeeze %dma_wait3A_176 : memref<1x1024x16xf32, #tpu.memory_space<vmem>> -> memref<1024x16xf32, #tpu.memory_space<vmem>>
        %dma_wait3A_178 = arith.constant 0 : i32
        %dma_wait3A_179 = tpu.memref_slice %arg5[%rem3A_171, %dma_wait3A_178] : memref<4x1024xi32, #tpu.memory_space<vmem>> -> memref<1x1024xi32, #tpu.memory_space<vmem>>
        %dma_wait3A_180 = tpu.memref_squeeze %dma_wait3A_179 : memref<1x1024xi32, #tpu.memory_space<vmem>> -> memref<1024xi32, #tpu.memory_space<vmem>>
        %dma_wait3A_181 = arith.constant 0 : i32
        %dma_wait3A_182 = arith.constant 0 : i32
        %dma_wait3A_183 = tpu.memref_slice %arg3[%dma_wait3A_181, %dma_wait3A_182] : memref<1000000x16xf32, #tpu.memory_space<hbm>> -> memref<1000000x16xf32, #tpu.memory_space<hbm>>
        %dma_wait3A_184 = tpu.memref_slice %arg9[%rem3A_173] : memref<2x!tpu.dma_semaphore, #tpu.memory_space<semaphore_mem>> -> memref<1x!tpu.dma_semaphore, #tpu.memory_space<semaphore_mem>>
        %dma_wait3A_185 = tpu.memref_squeeze %dma_wait3A_184 : memref<1x!tpu.dma_semaphore, #tpu.memory_space<semaphore_mem>> -> memref<!tpu.dma_semaphore, #tpu.memory_space<semaphore_mem>>
        tpu.wait_indirect_dma semaphore(%dma_wait3A_185 : memref<!tpu.dma_semaphore, #tpu.memory_space<semaphore_mem>>) src(%dma_wait3A_183 : memref<1000000x16xf32, #tpu.memory_space<hbm>>) dst(%dma_wait3A_177 : memref<1024x16xf32, #tpu.memory_space<vmem>>)
        %ge3A_186 = arith.constant 2 : i32
        %ge3A_187 = arith.cmpi sge, %sub3A_160, %ge3A_186 : i32
        %convert_element_type3A_188 = arith.extui %ge3A_187 : i1 to i32
        %cond3A_189 = arith.constant 0 : i32
        %cond3A_190 = arith.cmpi ne, %convert_element_type3A_188, %cond3A_189 : i32
        scf.if %cond3A_190 {
          %add3A_270 = arith.addi %mul3A_2, %sub3A_160 : i32
          %sub3A_271 = arith.constant 2 : i32
          %sub3A_272 = arith.subi %add3A_270, %sub3A_271 : i32
          %rem3A_273 = arith.constant 2 : i32
          %rem3A_274 = arith.remsi %sub3A_272, %rem3A_273 : i32
          %jit3A_275 = arith.constant 16 : i32
          %div3A_276 = arith.divsi %sub3A_272, %jit3A_275 : i32
          %sign3A_277 = arith.constant 0 : i32
          %sign3A_278 = arith.cmpi sgt, %sub3A_272, %sign3A_277 : i32
          %sign3A_279 = arith.extui %sign3A_278 : i1 to i32
          %sign3A_280 = arith.constant 0 : i32
          %sign3A_281 = arith.cmpi slt, %sub3A_272, %sign3A_280 : i32
          %sign3A_282 = arith.extui %sign3A_281 : i1 to i32
          %sign3A_283 = arith.subi %sign3A_279, %sign3A_282 : i32
          %sign3A_284 = arith.constant 0 : i32
          %sign3A_285 = arith.cmpi sgt, %jit3A_275, %sign3A_284 : i32
          %sign3A_286 = arith.extui %sign3A_285 : i1 to i32
          %sign3A_287 = arith.constant 0 : i32
          %sign3A_288 = arith.cmpi slt, %jit3A_275, %sign3A_287 : i32
          %sign3A_289 = arith.extui %sign3A_288 : i1 to i32
          %sign3A_290 = arith.subi %sign3A_286, %sign3A_289 : i32
          %ne3A_291 = arith.cmpi ne, %sign3A_283, %sign3A_290 : i32
          %rem3A_292 = arith.remsi %sub3A_272, %jit3A_275 : i32
          %ne3A_293 = arith.constant 0 : i32
          %ne3A_294 = arith.cmpi ne, %rem3A_292, %ne3A_293 : i32
          %and3A_295 = arith.andi %ne3A_291, %ne3A_294 : i1
          %sub3A_296 = arith.constant 1 : i32
          %sub3A_297 = arith.subi %div3A_276, %sub3A_296 : i32
          %select_n3A_298 = arith.select %and3A_295, %sub3A_297, %div3A_276 : i32
          %rem3A_299 = arith.constant 16 : i32
          %rem3A_300 = arith.remsi %sub3A_272, %rem3A_299 : i32
          %mul3A_301 = arith.constant 8 : i32
          %mul3A_302 = arith.muli %rem3A_300, %mul3A_301 : i32
          %mul3A_303 = arith.constant 2 : i32
          %mul3A_304 = arith.muli %select_n3A_298, %mul3A_303 : i32
          %add3A_305 = arith.constant 0 : i32
          %add3A_306 = arith.addi %mul3A_304, %add3A_305 : i32
          %mul3A_307 = arith.constant 128 : i32
          %mul3A_308 = arith.muli %add3A_306, %mul3A_307 : i32
          %add3A_309 = arith.addi %mul3A_308, %mul3A_302 : i32
          %mul3A_310 = arith.constant 1024 : i32
          %mul3A_311 = arith.muli %add3A_309, %mul3A_310 : i32
          %mul3A_312 = arith.constant 2 : i32
          %mul3A_313 = arith.muli %select_n3A_298, %mul3A_312 : i32
          %add3A_314 = arith.constant 1 : i32
          %add3A_315 = arith.addi %mul3A_313, %add3A_314 : i32
          %mul3A_316 = arith.constant 128 : i32
          %mul3A_317 = arith.muli %add3A_315, %mul3A_316 : i32
          %add3A_318 = arith.addi %mul3A_317, %mul3A_302 : i32
          %mul3A_319 = arith.constant 1024 : i32
          %mul3A_320 = arith.muli %add3A_318, %mul3A_319 : i32
          %dma_wait3A_321 = arith.constant 0 : i32
          %dma_wait3A_322 = tpu.memref_slice %arg7[%rem3A_274, %dma_wait3A_321] : memref<2x16384xf32, #tpu.memory_space<vmem>> -> memref<1x8192xf32, #tpu.memory_space<vmem>>
          %dma_wait3A_323 = tpu.memref_squeeze %dma_wait3A_322 : memref<1x8192xf32, #tpu.memory_space<vmem>> -> memref<8192xf32, #tpu.memory_space<vmem>>
          %dma_wait3A_324 = tpu.memref_slice %arg4[%mul3A_311] : memref<52428800xf32, #tpu.memory_space<hbm>> -> memref<8192xf32, #tpu.memory_space<hbm>>
          %dma_wait3A_325 = tpu.memref_slice %arg10[%rem3A_274] : memref<2x!tpu.dma_semaphore, #tpu.memory_space<semaphore_mem>> -> memref<1x!tpu.dma_semaphore, #tpu.memory_space<semaphore_mem>>
          %dma_wait3A_326 = tpu.memref_squeeze %dma_wait3A_325 : memref<1x!tpu.dma_semaphore, #tpu.memory_space<semaphore_mem>> -> memref<!tpu.dma_semaphore, #tpu.memory_space<semaphore_mem>>
          %dma_wait3A_327 = tpu.memref_slice %arg4[%mul3A_311] : memref<52428800xf32, #tpu.memory_space<hbm>> -> memref<8192xf32, #tpu.memory_space<hbm>>
          %dma_wait3A_328 = arith.constant 0 : i32
          %dma_wait3A_329 = tpu.memref_slice %arg7[%rem3A_274, %dma_wait3A_328] : memref<2x16384xf32, #tpu.memory_space<vmem>> -> memref<1x8192xf32, #tpu.memory_space<vmem>>
          %dma_wait3A_330 = tpu.memref_squeeze %dma_wait3A_329 : memref<1x8192xf32, #tpu.memory_space<vmem>> -> memref<8192xf32, #tpu.memory_space<vmem>>
          tpu.wait_dma2 semaphore(%dma_wait3A_326 : memref<!tpu.dma_semaphore, #tpu.memory_space<semaphore_mem>>) src(%dma_wait3A_330 : memref<8192xf32, #tpu.memory_space<vmem>>) dst(%dma_wait3A_327 : memref<8192xf32, #tpu.memory_space<hbm>>)
          %dma_wait3A_331 = arith.constant 8192 : i32
          %dma_wait3A_332 = tpu.memref_slice %arg7[%rem3A_274, %dma_wait3A_331] : memref<2x16384xf32, #tpu.memory_space<vmem>> -> memref<1x8192xf32, #tpu.memory_space<vmem>>
          %dma_wait3A_333 = tpu.memref_squeeze %dma_wait3A_332 : memref<1x8192xf32, #tpu.memory_space<vmem>> -> memref<8192xf32, #tpu.memory_space<vmem>>
          %dma_wait3A_334 = tpu.memref_slice %arg4[%mul3A_320] : memref<52428800xf32, #tpu.memory_space<hbm>> -> memref<8192xf32, #tpu.memory_space<hbm>>
          %dma_wait3A_335 = tpu.memref_slice %arg10[%rem3A_274] : memref<2x!tpu.dma_semaphore, #tpu.memory_space<semaphore_mem>> -> memref<1x!tpu.dma_semaphore, #tpu.memory_space<semaphore_mem>>
          %dma_wait3A_336 = tpu.memref_squeeze %dma_wait3A_335 : memref<1x!tpu.dma_semaphore, #tpu.memory_space<semaphore_mem>> -> memref<!tpu.dma_semaphore, #tpu.memory_space<semaphore_mem>>
          %dma_wait3A_337 = tpu.memref_slice %arg4[%mul3A_320] : memref<52428800xf32, #tpu.memory_space<hbm>> -> memref<8192xf32, #tpu.memory_space<hbm>>
          %dma_wait3A_338 = arith.constant 8192 : i32
          %dma_wait3A_339 = tpu.memref_slice %arg7[%rem3A_274, %dma_wait3A_338] : memref<2x16384xf32, #tpu.memory_space<vmem>> -> memref<1x8192xf32, #tpu.memory_space<vmem>>
          %dma_wait3A_340 = tpu.memref_squeeze %dma_wait3A_339 : memref<1x8192xf32, #tpu.memory_space<vmem>> -> memref<8192xf32, #tpu.memory_space<vmem>>
          tpu.wait_dma2 semaphore(%dma_wait3A_336 : memref<!tpu.dma_semaphore, #tpu.memory_space<semaphore_mem>>) src(%dma_wait3A_340 : memref<8192xf32, #tpu.memory_space<vmem>>) dst(%dma_wait3A_337 : memref<8192xf32, #tpu.memory_space<hbm>>)
        } else {
        }
        %add3A_191 = arith.addi %mul3A_2, %sub3A_160 : i32
        %rem3A_192 = arith.constant 2 : i32
        %rem3A_193 = arith.remsi %add3A_191, %rem3A_192 : i32
        %rem3A_194 = arith.constant 2 : i32
        %rem3A_195 = arith.remsi %add3A_191, %rem3A_194 : i32
        %scan3A_196 = arith.constant 0 : i32
        %scan3A_197 = arith.constant 0 : i32
        %scan3A_198 = arith.constant 64 : i32
        %scan3A_199 = arith.addi %scan3A_197, %scan3A_198 : i32
        %scan3A_200 = arith.constant 1 : i32
        scf.for %scan3A_270 = %scan3A_197 to %scan3A_199 step %scan3A_200  : i32 {
          %jit3A_271 = arith.constant 8 : i32
          %div3A_272 = arith.divsi %scan3A_270, %jit3A_271 : i32
          %sign3A_273 = arith.constant 0 : i32
          %sign3A_274 = arith.cmpi sgt, %scan3A_270, %sign3A_273 : i32
          %sign3A_275 = arith.extui %sign3A_274 : i1 to i32
          %sign3A_276 = arith.constant 0 : i32
          %sign3A_277 = arith.cmpi slt, %scan3A_270, %sign3A_276 : i32
          %sign3A_278 = arith.extui %sign3A_277 : i1 to i32
          %sign3A_279 = arith.subi %sign3A_275, %sign3A_278 : i32
          %sign3A_280 = arith.constant 0 : i32
          %sign3A_281 = arith.cmpi sgt, %jit3A_271, %sign3A_280 : i32
          %sign3A_282 = arith.extui %sign3A_281 : i1 to i32
          %sign3A_283 = arith.constant 0 : i32
          %sign3A_284 = arith.cmpi slt, %jit3A_271, %sign3A_283 : i32
          %sign3A_285 = arith.extui %sign3A_284 : i1 to i32
          %sign3A_286 = arith.subi %sign3A_282, %sign3A_285 : i32
          %ne3A_287 = arith.cmpi ne, %sign3A_279, %sign3A_286 : i32
          %rem3A_288 = arith.remsi %scan3A_270, %jit3A_271 : i32
          %ne3A_289 = arith.constant 0 : i32
          %ne3A_290 = arith.cmpi ne, %rem3A_288, %ne3A_289 : i32
          %and3A_291 = arith.andi %ne3A_287, %ne3A_290 : i1
          %sub3A_292 = arith.constant 1 : i32
          %sub3A_293 = arith.subi %div3A_272, %sub3A_292 : i32
          %select_n3A_294 = arith.select %and3A_291, %sub3A_293, %div3A_272 : i32
          %rem3A_295 = arith.constant 8 : i32
          %rem3A_296 = arith.remsi %scan3A_270, %rem3A_295 : i32
          %add3A_297 = arith.constant 0 : i32
          %add3A_298 = arith.addi %add3A_297, %rem3A_296 : i32
          %broadcast_in_dim3A = vector.broadcast %add3A_298 : i32 to vector<16xi32>
          %mul3A_299 = arith.constant 128 : i32
          %mul3A_300 = arith.muli %select_n3A_294, %mul3A_299 : i32
          %add3A_301 = arith.constant 0 : i32
          %add3A_302 = arith.addi %mul3A_300, %add3A_301 : i32
          %add3A_303 = vector.broadcast %add3A_302 : i32 to vector<16xi32>
          %add3A_304 = arith.addi %add3A_303, %iota3A : vector<16xi32>
          %gather3A = arith.constant 0 : i32
          %gather3A_305 = arith.constant 0 : i32
          %gather3A_306 = tpu.memref_slice %arg6[%rem3A_193, %gather3A, %gather3A_305] : memref<2x1024x16xf32, #tpu.memory_space<vmem>> -> memref<1x1024x16xf32, #tpu.memory_space<vmem>>
          %gather3A_307 = tpu.memref_squeeze %gather3A_306 : memref<1x1024x16xf32, #tpu.memory_space<vmem>> -> memref<1024x16xf32, #tpu.memory_space<vmem>>
          %gather3A_308 = tpu.vector_load_idx %gather3A_307[%add3A_304, %broadcast_in_dim3A] : memref<1024x16xf32, #tpu.memory_space<vmem>>[vector<16xi32>, vector<16xi32>], vector<16xf32>,
          %mul3A_309 = arith.constant 128 : i32
          %mul3A_310 = arith.muli %scan3A_270, %mul3A_309 : i32
          %add3A_311 = arith.constant 0 : i32
          %add3A_312 = arith.addi %add3A_311, %mul3A_310 : i32
          %add3A_313 = arith.constant 0 : i32
          %add3A_314 = arith.addi %add3A_312, %add3A_313 : i32
          %swap3A = arith.index_cast %rem3A_195 : i32 to index
          %swap3A_315 = arith.index_cast %add3A_314 : i32 to index
          %swap3A_316 = tpu.vector_load %arg7[%swap3A, %swap3A_315] {strides = array<i32>} : memref<2x16384xf32, #tpu.memory_space<vmem>>, vector<16xf32>,
          tpu.vector_store %arg7[%swap3A, %swap3A_315], %gather3A_308 {strides = array<i32>} : memref<2x16384xf32, #tpu.memory_space<vmem>>, vector<16xf32>,
          %mul3A_317 = arith.constant 128 : i32
          %mul3A_318 = arith.muli %select_n3A_294, %mul3A_317 : i32
          %add3A_319 = arith.constant 16 : i32
          %add3A_320 = arith.addi %mul3A_318, %add3A_319 : i32
          %add3A_321 = vector.broadcast %add3A_320 : i32 to vector<16xi32>
          %add3A_322 = arith.addi %add3A_321, %iota3A : vector<16xi32>
          %gather3A_323 = arith.constant 0 : i32
          %gather3A_324 = arith.constant 0 : i32
          %gather3A_325 = tpu.memref_slice %arg6[%rem3A_193, %gather3A_323, %gather3A_324] : memref<2x1024x16xf32, #tpu.memory_space<vmem>> -> memref<1x1024x16xf32, #tpu.memory_space<vmem>>
          %gather3A_326 = tpu.memref_squeeze %gather3A_325 : memref<1x1024x16xf32, #tpu.memory_space<vmem>> -> memref<1024x16xf32, #tpu.memory_space<vmem>>
          %gather3A_327 = tpu.vector_load_idx %gather3A_326[%add3A_322, %broadcast_in_dim3A] : memref<1024x16xf32, #tpu.memory_space<vmem>>[vector<16xi32>, vector<16xi32>], vector<16xf32>,
          %mul3A_328 = arith.constant 128 : i32
          %mul3A_329 = arith.muli %scan3A_270, %mul3A_328 : i32
          %add3A_330 = arith.constant 0 : i32
          %add3A_331 = arith.addi %add3A_330, %mul3A_329 : i32
          %add3A_332 = arith.constant 16 : i32
          %add3A_333 = arith.addi %add3A_331, %add3A_332 : i32
          %swap3A_334 = arith.index_cast %rem3A_195 : i32 to index
          %swap3A_335 = arith.index_cast %add3A_333 : i32 to index
          %swap3A_336 = tpu.vector_load %arg7[%swap3A_334, %swap3A_335] {strides = array<i32>} : memref<2x16384xf32, #tpu.memory_space<vmem>>, vector<16xf32>,
          tpu.vector_store %arg7[%swap3A_334, %swap3A_335], %gather3A_327 {strides = array<i32>} : memref<2x16384xf32, #tpu.memory_space<vmem>>, vector<16xf32>,
          %mul3A_337 = arith.constant 128 : i32
          %mul3A_338 = arith.muli %select_n3A_294, %mul3A_337 : i32
          %add3A_339 = arith.constant 32 : i32
          %add3A_340 = arith.addi %mul3A_338, %add3A_339 : i32
          %add3A_341 = vector.broadcast %add3A_340 : i32 to vector<16xi32>
          %add3A_342 = arith.addi %add3A_341, %iota3A : vector<16xi32>
          %gather3A_343 = arith.constant 0 : i32
          %gather3A_344 = arith.constant 0 : i32
          %gather3A_345 = tpu.memref_slice %arg6[%rem3A_193, %gather3A_343, %gather3A_344] : memref<2x1024x16xf32, #tpu.memory_space<vmem>> -> memref<1x1024x16xf32, #tpu.memory_space<vmem>>
          %gather3A_346 = tpu.memref_squeeze %gather3A_345 : memref<1x1024x16xf32, #tpu.memory_space<vmem>> -> memref<1024x16xf32, #tpu.memory_space<vmem>>
          %gather3A_347 = tpu.vector_load_idx %gather3A_346[%add3A_342, %broadcast_in_dim3A] : memref<1024x16xf32, #tpu.memory_space<vmem>>[vector<16xi32>, vector<16xi32>], vector<16xf32>,
          %mul3A_348 = arith.constant 128 : i32
          %mul3A_349 = arith.muli %scan3A_270, %mul3A_348 : i32
          %add3A_350 = arith.constant 0 : i32
          %add3A_351 = arith.addi %add3A_350, %mul3A_349 : i32
          %add3A_352 = arith.constant 32 : i32
          %add3A_353 = arith.addi %add3A_351, %add3A_352 : i32
          %swap3A_354 = arith.index_cast %rem3A_195 : i32 to index
          %swap3A_355 = arith.index_cast %add3A_353 : i32 to index
          %swap3A_356 = tpu.vector_load %arg7[%swap3A_354, %swap3A_355] {strides = array<i32>} : memref<2x16384xf32, #tpu.memory_space<vmem>>, vector<16xf32>,
          tpu.vector_store %arg7[%swap3A_354, %swap3A_355], %gather3A_347 {strides = array<i32>} : memref<2x16384xf32, #tpu.memory_space<vmem>>, vector<16xf32>,
          %mul3A_357 = arith.constant 128 : i32
          %mul3A_358 = arith.muli %select_n3A_294, %mul3A_357 : i32
          %add3A_359 = arith.constant 48 : i32
          %add3A_360 = arith.addi %mul3A_358, %add3A_359 : i32
          %add3A_361 = vector.broadcast %add3A_360 : i32 to vector<16xi32>
          %add3A_362 = arith.addi %add3A_361, %iota3A : vector<16xi32>
          %gather3A_363 = arith.constant 0 : i32
          %gather3A_364 = arith.constant 0 : i32
          %gather3A_365 = tpu.memref_slice %arg6[%rem3A_193, %gather3A_363, %gather3A_364] : memref<2x1024x16xf32, #tpu.memory_space<vmem>> -> memref<1x1024x16xf32, #tpu.memory_space<vmem>>
          %gather3A_366 = tpu.memref_squeeze %gather3A_365 : memref<1x1024x16xf32, #tpu.memory_space<vmem>> -> memref<1024x16xf32, #tpu.memory_space<vmem>>
          %gather3A_367 = tpu.vector_load_idx %gather3A_366[%add3A_362, %broadcast_in_dim3A] : memref<1024x16xf32, #tpu.memory_space<vmem>>[vector<16xi32>, vector<16xi32>], vector<16xf32>,
          %mul3A_368 = arith.constant 128 : i32
          %mul3A_369 = arith.muli %scan3A_270, %mul3A_368 : i32
          %add3A_370 = arith.constant 0 : i32
          %add3A_371 = arith.addi %add3A_370, %mul3A_369 : i32
          %add3A_372 = arith.constant 48 : i32
          %add3A_373 = arith.addi %add3A_371, %add3A_372 : i32
          %swap3A_374 = arith.index_cast %rem3A_195 : i32 to index
          %swap3A_375 = arith.index_cast %add3A_373 : i32 to index
          %swap3A_376 = tpu.vector_load %arg7[%swap3A_374, %swap3A_375] {strides = array<i32>} : memref<2x16384xf32, #tpu.memory_space<vmem>>, vector<16xf32>,
          tpu.vector_store %arg7[%swap3A_374, %swap3A_375], %gather3A_367 {strides = array<i32>} : memref<2x16384xf32, #tpu.memory_space<vmem>>, vector<16xf32>,
          %mul3A_377 = arith.constant 128 : i32
          %mul3A_378 = arith.muli %select_n3A_294, %mul3A_377 : i32
          %add3A_379 = arith.constant 64 : i32
          %add3A_380 = arith.addi %mul3A_378, %add3A_379 : i32
          %add3A_381 = vector.broadcast %add3A_380 : i32 to vector<16xi32>
          %add3A_382 = arith.addi %add3A_381, %iota3A : vector<16xi32>
          %gather3A_383 = arith.constant 0 : i32
          %gather3A_384 = arith.constant 0 : i32
          %gather3A_385 = tpu.memref_slice %arg6[%rem3A_193, %gather3A_383, %gather3A_384] : memref<2x1024x16xf32, #tpu.memory_space<vmem>> -> memref<1x1024x16xf32, #tpu.memory_space<vmem>>
          %gather3A_386 = tpu.memref_squeeze %gather3A_385 : memref<1x1024x16xf32, #tpu.memory_space<vmem>> -> memref<1024x16xf32, #tpu.memory_space<vmem>>
          %gather3A_387 = tpu.vector_load_idx %gather3A_386[%add3A_382, %broadcast_in_dim3A] : memref<1024x16xf32, #tpu.memory_space<vmem>>[vector<16xi32>, vector<16xi32>], vector<16xf32>,
          %mul3A_388 = arith.constant 128 : i32
          %mul3A_389 = arith.muli %scan3A_270, %mul3A_388 : i32
          %add3A_390 = arith.constant 0 : i32
          %add3A_391 = arith.addi %add3A_390, %mul3A_389 : i32
          %add3A_392 = arith.constant 64 : i32
          %add3A_393 = arith.addi %add3A_391, %add3A_392 : i32
          %swap3A_394 = arith.index_cast %rem3A_195 : i32 to index
          %swap3A_395 = arith.index_cast %add3A_393 : i32 to index
          %swap3A_396 = tpu.vector_load %arg7[%swap3A_394, %swap3A_395] {strides = array<i32>} : memref<2x16384xf32, #tpu.memory_space<vmem>>, vector<16xf32>,
          tpu.vector_store %arg7[%swap3A_394, %swap3A_395], %gather3A_387 {strides = array<i32>} : memref<2x16384xf32, #tpu.memory_space<vmem>>, vector<16xf32>,
          %mul3A_397 = arith.constant 128 : i32
          %mul3A_398 = arith.muli %select_n3A_294, %mul3A_397 : i32
          %add3A_399 = arith.constant 80 : i32
          %add3A_400 = arith.addi %mul3A_398, %add3A_399 : i32
          %add3A_401 = vector.broadcast %add3A_400 : i32 to vector<16xi32>
          %add3A_402 = arith.addi %add3A_401, %iota3A : vector<16xi32>
          %gather3A_403 = arith.constant 0 : i32
          %gather3A_404 = arith.constant 0 : i32
          %gather3A_405 = tpu.memref_slice %arg6[%rem3A_193, %gather3A_403, %gather3A_404] : memref<2x1024x16xf32, #tpu.memory_space<vmem>> -> memref<1x1024x16xf32, #tpu.memory_space<vmem>>
          %gather3A_406 = tpu.memref_squeeze %gather3A_405 : memref<1x1024x16xf32, #tpu.memory_space<vmem>> -> memref<1024x16xf32, #tpu.memory_space<vmem>>
          %gather3A_407 = tpu.vector_load_idx %gather3A_406[%add3A_402, %broadcast_in_dim3A] : memref<1024x16xf32, #tpu.memory_space<vmem>>[vector<16xi32>, vector<16xi32>], vector<16xf32>,
          %mul3A_408 = arith.constant 128 : i32
          %mul3A_409 = arith.muli %scan3A_270, %mul3A_408 : i32
          %add3A_410 = arith.constant 0 : i32
          %add3A_411 = arith.addi %add3A_410, %mul3A_409 : i32
          %add3A_412 = arith.constant 80 : i32
          %add3A_413 = arith.addi %add3A_411, %add3A_412 : i32
          %swap3A_414 = arith.index_cast %rem3A_195 : i32 to index
          %swap3A_415 = arith.index_cast %add3A_413 : i32 to index
          %swap3A_416 = tpu.vector_load %arg7[%swap3A_414, %swap3A_415] {strides = array<i32>} : memref<2x16384xf32, #tpu.memory_space<vmem>>, vector<16xf32>,
          tpu.vector_store %arg7[%swap3A_414, %swap3A_415], %gather3A_407 {strides = array<i32>} : memref<2x16384xf32, #tpu.memory_space<vmem>>, vector<16xf32>,
          %mul3A_417 = arith.constant 128 : i32
          %mul3A_418 = arith.muli %select_n3A_294, %mul3A_417 : i32
          %add3A_419 = arith.constant 96 : i32
          %add3A_420 = arith.addi %mul3A_418, %add3A_419 : i32
          %add3A_421 = vector.broadcast %add3A_420 : i32 to vector<16xi32>
          %add3A_422 = arith.addi %add3A_421, %iota3A : vector<16xi32>
          %gather3A_423 = arith.constant 0 : i32
          %gather3A_424 = arith.constant 0 : i32
          %gather3A_425 = tpu.memref_slice %arg6[%rem3A_193, %gather3A_423, %gather3A_424] : memref<2x1024x16xf32, #tpu.memory_space<vmem>> -> memref<1x1024x16xf32, #tpu.memory_space<vmem>>
          %gather3A_426 = tpu.memref_squeeze %gather3A_425 : memref<1x1024x16xf32, #tpu.memory_space<vmem>> -> memref<1024x16xf32, #tpu.memory_space<vmem>>
          %gather3A_427 = tpu.vector_load_idx %gather3A_426[%add3A_422, %broadcast_in_dim3A] : memref<1024x16xf32, #tpu.memory_space<vmem>>[vector<16xi32>, vector<16xi32>], vector<16xf32>,
          %mul3A_428 = arith.constant 128 : i32
          %mul3A_429 = arith.muli %scan3A_270, %mul3A_428 : i32
          %add3A_430 = arith.constant 0 : i32
          %add3A_431 = arith.addi %add3A_430, %mul3A_429 : i32
          %add3A_432 = arith.constant 96 : i32
          %add3A_433 = arith.addi %add3A_431, %add3A_432 : i32
          %swap3A_434 = arith.index_cast %rem3A_195 : i32 to index
          %swap3A_435 = arith.index_cast %add3A_433 : i32 to index
          %swap3A_436 = tpu.vector_load %arg7[%swap3A_434, %swap3A_435] {strides = array<i32>} : memref<2x16384xf32, #tpu.memory_space<vmem>>, vector<16xf32>,
          tpu.vector_store %arg7[%swap3A_434, %swap3A_435], %gather3A_427 {strides = array<i32>} : memref<2x16384xf32, #tpu.memory_space<vmem>>, vector<16xf32>,
          %mul3A_437 = arith.constant 128 : i32
          %mul3A_438 = arith.muli %select_n3A_294, %mul3A_437 : i32
          %add3A_439 = arith.constant 112 : i32
          %add3A_440 = arith.addi %mul3A_438, %add3A_439 : i32
          %add3A_441 = vector.broadcast %add3A_440 : i32 to vector<16xi32>
          %add3A_442 = arith.addi %add3A_441, %iota3A : vector<16xi32>
          %gather3A_443 = arith.constant 0 : i32
          %gather3A_444 = arith.constant 0 : i32
          %gather3A_445 = tpu.memref_slice %arg6[%rem3A_193, %gather3A_443, %gather3A_444] : memref<2x1024x16xf32, #tpu.memory_space<vmem>> -> memref<1x1024x16xf32, #tpu.memory_space<vmem>>
          %gather3A_446 = tpu.memref_squeeze %gather3A_445 : memref<1x1024x16xf32, #tpu.memory_space<vmem>> -> memref<1024x16xf32, #tpu.memory_space<vmem>>
          %gather3A_447 = tpu.vector_load_idx %gather3A_446[%add3A_442, %broadcast_in_dim3A] : memref<1024x16xf32, #tpu.memory_space<vmem>>[vector<16xi32>, vector<16xi32>], vector<16xf32>,
          %mul3A_448 = arith.constant 128 : i32
          %mul3A_449 = arith.muli %scan3A_270, %mul3A_448 : i32
          %add3A_450 = arith.constant 0 : i32
          %add3A_451 = arith.addi %add3A_450, %mul3A_449 : i32
          %add3A_452 = arith.constant 112 : i32
          %add3A_453 = arith.addi %add3A_451, %add3A_452 : i32
          %swap3A_454 = arith.index_cast %rem3A_195 : i32 to index
          %swap3A_455 = arith.index_cast %add3A_453 : i32 to index
          %swap3A_456 = tpu.vector_load %arg7[%swap3A_454, %swap3A_455] {strides = array<i32>} : memref<2x16384xf32, #tpu.memory_space<vmem>>, vector<16xf32>,
          tpu.vector_store %arg7[%swap3A_454, %swap3A_455], %gather3A_447 {strides = array<i32>} : memref<2x16384xf32, #tpu.memory_space<vmem>>, vector<16xf32>,
          %add3A_457 = arith.constant 8 : i32
          %add3A_458 = arith.addi %add3A_457, %rem3A_296 : i32
          %broadcast_in_dim3A_459 = vector.broadcast %add3A_458 : i32 to vector<16xi32>
          %mul3A_460 = arith.constant 128 : i32
          %mul3A_461 = arith.muli %select_n3A_294, %mul3A_460 : i32
          %add3A_462 = arith.constant 0 : i32
          %add3A_463 = arith.addi %mul3A_461, %add3A_462 : i32
          %add3A_464 = vector.broadcast %add3A_463 : i32 to vector<16xi32>
          %add3A_465 = arith.addi %add3A_464, %iota3A : vector<16xi32>
          %gather3A_466 = arith.constant 0 : i32
          %gather3A_467 = arith.constant 0 : i32
          %gather3A_468 = tpu.memref_slice %arg6[%rem3A_193, %gather3A_466, %gather3A_467] : memref<2x1024x16xf32, #tpu.memory_space<vmem>> -> memref<1x1024x16xf32, #tpu.memory_space<vmem>>
          %gather3A_469 = tpu.memref_squeeze %gather3A_468 : memref<1x1024x16xf32, #tpu.memory_space<vmem>> -> memref<1024x16xf32, #tpu.memory_space<vmem>>
          %gather3A_470 = tpu.vector_load_idx %gather3A_469[%add3A_465, %broadcast_in_dim3A_459] : memref<1024x16xf32, #tpu.memory_space<vmem>>[vector<16xi32>, vector<16xi32>], vector<16xf32>,
          %mul3A_471 = arith.constant 128 : i32
          %mul3A_472 = arith.muli %scan3A_270, %mul3A_471 : i32
          %add3A_473 = arith.constant 8192 : i32
          %add3A_474 = arith.addi %add3A_473, %mul3A_472 : i32
          %add3A_475 = arith.constant 0 : i32
          %add3A_476 = arith.addi %add3A_474, %add3A_475 : i32
          %swap3A_477 = arith.index_cast %rem3A_195 : i32 to index
          %swap3A_478 = arith.index_cast %add3A_476 : i32 to index
          %swap3A_479 = tpu.vector_load %arg7[%swap3A_477, %swap3A_478] {strides = array<i32>} : memref<2x16384xf32, #tpu.memory_space<vmem>>, vector<16xf32>,
          tpu.vector_store %arg7[%swap3A_477, %swap3A_478], %gather3A_470 {strides = array<i32>} : memref<2x16384xf32, #tpu.memory_space<vmem>>, vector<16xf32>,
          %mul3A_480 = arith.constant 128 : i32
          %mul3A_481 = arith.muli %select_n3A_294, %mul3A_480 : i32
          %add3A_482 = arith.constant 16 : i32
          %add3A_483 = arith.addi %mul3A_481, %add3A_482 : i32
          %add3A_484 = vector.broadcast %add3A_483 : i32 to vector<16xi32>
          %add3A_485 = arith.addi %add3A_484, %iota3A : vector<16xi32>
          %gather3A_486 = arith.constant 0 : i32
          %gather3A_487 = arith.constant 0 : i32
          %gather3A_488 = tpu.memref_slice %arg6[%rem3A_193, %gather3A_486, %gather3A_487] : memref<2x1024x16xf32, #tpu.memory_space<vmem>> -> memref<1x1024x16xf32, #tpu.memory_space<vmem>>
          %gather3A_489 = tpu.memref_squeeze %gather3A_488 : memref<1x1024x16xf32, #tpu.memory_space<vmem>> -> memref<1024x16xf32, #tpu.memory_space<vmem>>
          %gather3A_490 = tpu.vector_load_idx %gather3A_489[%add3A_485, %broadcast_in_dim3A_459] : memref<1024x16xf32, #tpu.memory_space<vmem>>[vector<16xi32>, vector<16xi32>], vector<16xf32>,
          %mul3A_491 = arith.constant 128 : i32
          %mul3A_492 = arith.muli %scan3A_270, %mul3A_491 : i32
          %add3A_493 = arith.constant 8192 : i32
          %add3A_494 = arith.addi %add3A_493, %mul3A_492 : i32
          %add3A_495 = arith.constant 16 : i32
          %add3A_496 = arith.addi %add3A_494, %add3A_495 : i32
          %swap3A_497 = arith.index_cast %rem3A_195 : i32 to index
          %swap3A_498 = arith.index_cast %add3A_496 : i32 to index
          %swap3A_499 = tpu.vector_load %arg7[%swap3A_497, %swap3A_498] {strides = array<i32>} : memref<2x16384xf32, #tpu.memory_space<vmem>>, vector<16xf32>,
          tpu.vector_store %arg7[%swap3A_497, %swap3A_498], %gather3A_490 {strides = array<i32>} : memref<2x16384xf32, #tpu.memory_space<vmem>>, vector<16xf32>,
          %mul3A_500 = arith.constant 128 : i32
          %mul3A_501 = arith.muli %select_n3A_294, %mul3A_500 : i32
          %add3A_502 = arith.constant 32 : i32
          %add3A_503 = arith.addi %mul3A_501, %add3A_502 : i32
          %add3A_504 = vector.broadcast %add3A_503 : i32 to vector<16xi32>
          %add3A_505 = arith.addi %add3A_504, %iota3A : vector<16xi32>
          %gather3A_506 = arith.constant 0 : i32
          %gather3A_507 = arith.constant 0 : i32
          %gather3A_508 = tpu.memref_slice %arg6[%rem3A_193, %gather3A_506, %gather3A_507] : memref<2x1024x16xf32, #tpu.memory_space<vmem>> -> memref<1x1024x16xf32, #tpu.memory_space<vmem>>
          %gather3A_509 = tpu.memref_squeeze %gather3A_508 : memref<1x1024x16xf32, #tpu.memory_space<vmem>> -> memref<1024x16xf32, #tpu.memory_space<vmem>>
          %gather3A_510 = tpu.vector_load_idx %gather3A_509[%add3A_505, %broadcast_in_dim3A_459] : memref<1024x16xf32, #tpu.memory_space<vmem>>[vector<16xi32>, vector<16xi32>], vector<16xf32>,
          %mul3A_511 = arith.constant 128 : i32
          %mul3A_512 = arith.muli %scan3A_270, %mul3A_511 : i32
          %add3A_513 = arith.constant 8192 : i32
          %add3A_514 = arith.addi %add3A_513, %mul3A_512 : i32
          %add3A_515 = arith.constant 32 : i32
          %add3A_516 = arith.addi %add3A_514, %add3A_515 : i32
          %swap3A_517 = arith.index_cast %rem3A_195 : i32 to index
          %swap3A_518 = arith.index_cast %add3A_516 : i32 to index
          %swap3A_519 = tpu.vector_load %arg7[%swap3A_517, %swap3A_518] {strides = array<i32>} : memref<2x16384xf32, #tpu.memory_space<vmem>>, vector<16xf32>,
          tpu.vector_store %arg7[%swap3A_517, %swap3A_518], %gather3A_510 {strides = array<i32>} : memref<2x16384xf32, #tpu.memory_space<vmem>>, vector<16xf32>,
          %mul3A_520 = arith.constant 128 : i32
          %mul3A_521 = arith.muli %select_n3A_294, %mul3A_520 : i32
          %add3A_522 = arith.constant 48 : i32
          %add3A_523 = arith.addi %mul3A_521, %add3A_522 : i32
          %add3A_524 = vector.broadcast %add3A_523 : i32 to vector<16xi32>
          %add3A_525 = arith.addi %add3A_524, %iota3A : vector<16xi32>
          %gather3A_526 = arith.constant 0 : i32
          %gather3A_527 = arith.constant 0 : i32
          %gather3A_528 = tpu.memref_slice %arg6[%rem3A_193, %gather3A_526, %gather3A_527] : memref<2x1024x16xf32, #tpu.memory_space<vmem>> -> memref<1x1024x16xf32, #tpu.memory_space<vmem>>
          %gather3A_529 = tpu.memref_squeeze %gather3A_528 : memref<1x1024x16xf32, #tpu.memory_space<vmem>> -> memref<1024x16xf32, #tpu.memory_space<vmem>>
          %gather3A_530 = tpu.vector_load_idx %gather3A_529[%add3A_525, %broadcast_in_dim3A_459] : memref<1024x16xf32, #tpu.memory_space<vmem>>[vector<16xi32>, vector<16xi32>], vector<16xf32>,
          %mul3A_531 = arith.constant 128 : i32
          %mul3A_532 = arith.muli %scan3A_270, %mul3A_531 : i32
          %add3A_533 = arith.constant 8192 : i32
          %add3A_534 = arith.addi %add3A_533, %mul3A_532 : i32
          %add3A_535 = arith.constant 48 : i32
          %add3A_536 = arith.addi %add3A_534, %add3A_535 : i32
          %swap3A_537 = arith.index_cast %rem3A_195 : i32 to index
          %swap3A_538 = arith.index_cast %add3A_536 : i32 to index
          %swap3A_539 = tpu.vector_load %arg7[%swap3A_537, %swap3A_538] {strides = array<i32>} : memref<2x16384xf32, #tpu.memory_space<vmem>>, vector<16xf32>,
          tpu.vector_store %arg7[%swap3A_537, %swap3A_538], %gather3A_530 {strides = array<i32>} : memref<2x16384xf32, #tpu.memory_space<vmem>>, vector<16xf32>,
          %mul3A_540 = arith.constant 128 : i32
          %mul3A_541 = arith.muli %select_n3A_294, %mul3A_540 : i32
          %add3A_542 = arith.constant 64 : i32
          %add3A_543 = arith.addi %mul3A_541, %add3A_542 : i32
          %add3A_544 = vector.broadcast %add3A_543 : i32 to vector<16xi32>
          %add3A_545 = arith.addi %add3A_544, %iota3A : vector<16xi32>
          %gather3A_546 = arith.constant 0 : i32
          %gather3A_547 = arith.constant 0 : i32
          %gather3A_548 = tpu.memref_slice %arg6[%rem3A_193, %gather3A_546, %gather3A_547] : memref<2x1024x16xf32, #tpu.memory_space<vmem>> -> memref<1x1024x16xf32, #tpu.memory_space<vmem>>
          %gather3A_549 = tpu.memref_squeeze %gather3A_548 : memref<1x1024x16xf32, #tpu.memory_space<vmem>> -> memref<1024x16xf32, #tpu.memory_space<vmem>>
          %gather3A_550 = tpu.vector_load_idx %gather3A_549[%add3A_545, %broadcast_in_dim3A_459] : memref<1024x16xf32, #tpu.memory_space<vmem>>[vector<16xi32>, vector<16xi32>], vector<16xf32>,
          %mul3A_551 = arith.constant 128 : i32
          %mul3A_552 = arith.muli %scan3A_270, %mul3A_551 : i32
          %add3A_553 = arith.constant 8192 : i32
          %add3A_554 = arith.addi %add3A_553, %mul3A_552 : i32
          %add3A_555 = arith.constant 64 : i32
          %add3A_556 = arith.addi %add3A_554, %add3A_555 : i32
          %swap3A_557 = arith.index_cast %rem3A_195 : i32 to index
          %swap3A_558 = arith.index_cast %add3A_556 : i32 to index
          %swap3A_559 = tpu.vector_load %arg7[%swap3A_557, %swap3A_558] {strides = array<i32>} : memref<2x16384xf32, #tpu.memory_space<vmem>>, vector<16xf32>,
          tpu.vector_store %arg7[%swap3A_557, %swap3A_558], %gather3A_550 {strides = array<i32>} : memref<2x16384xf32, #tpu.memory_space<vmem>>, vector<16xf32>,
          %mul3A_560 = arith.constant 128 : i32
          %mul3A_561 = arith.muli %select_n3A_294, %mul3A_560 : i32
          %add3A_562 = arith.constant 80 : i32
          %add3A_563 = arith.addi %mul3A_561, %add3A_562 : i32
          %add3A_564 = vector.broadcast %add3A_563 : i32 to vector<16xi32>
          %add3A_565 = arith.addi %add3A_564, %iota3A : vector<16xi32>
          %gather3A_566 = arith.constant 0 : i32
          %gather3A_567 = arith.constant 0 : i32
          %gather3A_568 = tpu.memref_slice %arg6[%rem3A_193, %gather3A_566, %gather3A_567] : memref<2x1024x16xf32, #tpu.memory_space<vmem>> -> memref<1x1024x16xf32, #tpu.memory_space<vmem>>
          %gather3A_569 = tpu.memref_squeeze %gather3A_568 : memref<1x1024x16xf32, #tpu.memory_space<vmem>> -> memref<1024x16xf32, #tpu.memory_space<vmem>>
          %gather3A_570 = tpu.vector_load_idx %gather3A_569[%add3A_565, %broadcast_in_dim3A_459] : memref<1024x16xf32, #tpu.memory_space<vmem>>[vector<16xi32>, vector<16xi32>], vector<16xf32>,
          %mul3A_571 = arith.constant 128 : i32
          %mul3A_572 = arith.muli %scan3A_270, %mul3A_571 : i32
          %add3A_573 = arith.constant 8192 : i32
          %add3A_574 = arith.addi %add3A_573, %mul3A_572 : i32
          %add3A_575 = arith.constant 80 : i32
          %add3A_576 = arith.addi %add3A_574, %add3A_575 : i32
          %swap3A_577 = arith.index_cast %rem3A_195 : i32 to index
          %swap3A_578 = arith.index_cast %add3A_576 : i32 to index
          %swap3A_579 = tpu.vector_load %arg7[%swap3A_577, %swap3A_578] {strides = array<i32>} : memref<2x16384xf32, #tpu.memory_space<vmem>>, vector<16xf32>,
          tpu.vector_store %arg7[%swap3A_577, %swap3A_578], %gather3A_570 {strides = array<i32>} : memref<2x16384xf32, #tpu.memory_space<vmem>>, vector<16xf32>,
          %mul3A_580 = arith.constant 128 : i32
          %mul3A_581 = arith.muli %select_n3A_294, %mul3A_580 : i32
          %add3A_582 = arith.constant 96 : i32
          %add3A_583 = arith.addi %mul3A_581, %add3A_582 : i32
          %add3A_584 = vector.broadcast %add3A_583 : i32 to vector<16xi32>
          %add3A_585 = arith.addi %add3A_584, %iota3A : vector<16xi32>
          %gather3A_586 = arith.constant 0 : i32
          %gather3A_587 = arith.constant 0 : i32
          %gather3A_588 = tpu.memref_slice %arg6[%rem3A_193, %gather3A_586, %gather3A_587] : memref<2x1024x16xf32, #tpu.memory_space<vmem>> -> memref<1x1024x16xf32, #tpu.memory_space<vmem>>
          %gather3A_589 = tpu.memref_squeeze %gather3A_588 : memref<1x1024x16xf32, #tpu.memory_space<vmem>> -> memref<1024x16xf32, #tpu.memory_space<vmem>>
          %gather3A_590 = tpu.vector_load_idx %gather3A_589[%add3A_585, %broadcast_in_dim3A_459] : memref<1024x16xf32, #tpu.memory_space<vmem>>[vector<16xi32>, vector<16xi32>], vector<16xf32>,
          %mul3A_591 = arith.constant 128 : i32
          %mul3A_592 = arith.muli %scan3A_270, %mul3A_591 : i32
          %add3A_593 = arith.constant 8192 : i32
          %add3A_594 = arith.addi %add3A_593, %mul3A_592 : i32
          %add3A_595 = arith.constant 96 : i32
          %add3A_596 = arith.addi %add3A_594, %add3A_595 : i32
          %swap3A_597 = arith.index_cast %rem3A_195 : i32 to index
          %swap3A_598 = arith.index_cast %add3A_596 : i32 to index
          %swap3A_599 = tpu.vector_load %arg7[%swap3A_597, %swap3A_598] {strides = array<i32>} : memref<2x16384xf32, #tpu.memory_space<vmem>>, vector<16xf32>,
          tpu.vector_store %arg7[%swap3A_597, %swap3A_598], %gather3A_590 {strides = array<i32>} : memref<2x16384xf32, #tpu.memory_space<vmem>>, vector<16xf32>,
          %mul3A_600 = arith.constant 128 : i32
          %mul3A_601 = arith.muli %select_n3A_294, %mul3A_600 : i32
          %add3A_602 = arith.constant 112 : i32
          %add3A_603 = arith.addi %mul3A_601, %add3A_602 : i32
          %add3A_604 = vector.broadcast %add3A_603 : i32 to vector<16xi32>
          %add3A_605 = arith.addi %add3A_604, %iota3A : vector<16xi32>
          %gather3A_606 = arith.constant 0 : i32
          %gather3A_607 = arith.constant 0 : i32
          %gather3A_608 = tpu.memref_slice %arg6[%rem3A_193, %gather3A_606, %gather3A_607] : memref<2x1024x16xf32, #tpu.memory_space<vmem>> -> memref<1x1024x16xf32, #tpu.memory_space<vmem>>
          %gather3A_609 = tpu.memref_squeeze %gather3A_608 : memref<1x1024x16xf32, #tpu.memory_space<vmem>> -> memref<1024x16xf32, #tpu.memory_space<vmem>>
          %gather3A_610 = tpu.vector_load_idx %gather3A_609[%add3A_605, %broadcast_in_dim3A_459] : memref<1024x16xf32, #tpu.memory_space<vmem>>[vector<16xi32>, vector<16xi32>], vector<16xf32>,
          %mul3A_611 = arith.constant 128 : i32
          %mul3A_612 = arith.muli %scan3A_270, %mul3A_611 : i32
          %add3A_613 = arith.constant 8192 : i32
          %add3A_614 = arith.addi %add3A_613, %mul3A_612 : i32
          %add3A_615 = arith.constant 112 : i32
          %add3A_616 = arith.addi %add3A_614, %add3A_615 : i32
          %swap3A_617 = arith.index_cast %rem3A_195 : i32 to index
          %swap3A_618 = arith.index_cast %add3A_616 : i32 to index
          %swap3A_619 = tpu.vector_load %arg7[%swap3A_617, %swap3A_618] {strides = array<i32>} : memref<2x16384xf32, #tpu.memory_space<vmem>>, vector<16xf32>,
          tpu.vector_store %arg7[%swap3A_617, %swap3A_618], %gather3A_610 {strides = array<i32>} : memref<2x16384xf32, #tpu.memory_space<vmem>>, vector<16xf32>,
        }
        %scan3A_201 = arith.constant 64 : i32
        %add3A_202 = arith.addi %mul3A_2, %sub3A_160 : i32
        %rem3A_203 = arith.constant 2 : i32
        %rem3A_204 = arith.remsi %add3A_202, %rem3A_203 : i32
        %jit3A_205 = arith.constant 16 : i32
        %div3A_206 = arith.divsi %add3A_202, %jit3A_205 : i32
        %sign3A_207 = arith.constant 0 : i32
        %sign3A_208 = arith.cmpi sgt, %add3A_202, %sign3A_207 : i32
        %sign3A_209 = arith.extui %sign3A_208 : i1 to i32
        %sign3A_210 = arith.constant 0 : i32
        %sign3A_211 = arith.cmpi slt, %add3A_202, %sign3A_210 : i32
        %sign3A_212 = arith.extui %sign3A_211 : i1 to i32
        %sign3A_213 = arith.subi %sign3A_209, %sign3A_212 : i32
        %sign3A_214 = arith.constant 0 : i32
        %sign3A_215 = arith.cmpi sgt, %jit3A_205, %sign3A_214 : i32
        %sign3A_216 = arith.extui %sign3A_215 : i1 to i32
        %sign3A_217 = arith.constant 0 : i32
        %sign3A_218 = arith.cmpi slt, %jit3A_205, %sign3A_217 : i32
        %sign3A_219 = arith.extui %sign3A_218 : i1 to i32
        %sign3A_220 = arith.subi %sign3A_216, %sign3A_219 : i32
        %ne3A_221 = arith.cmpi ne, %sign3A_213, %sign3A_220 : i32
        %rem3A_222 = arith.remsi %add3A_202, %jit3A_205 : i32
        %ne3A_223 = arith.constant 0 : i32
        %ne3A_224 = arith.cmpi ne, %rem3A_222, %ne3A_223 : i32
        %and3A_225 = arith.andi %ne3A_221, %ne3A_224 : i1
        %sub3A_226 = arith.constant 1 : i32
        %sub3A_227 = arith.subi %div3A_206, %sub3A_226 : i32
        %select_n3A_228 = arith.select %and3A_225, %sub3A_227, %div3A_206 : i32
        %rem3A_229 = arith.constant 16 : i32
        %rem3A_230 = arith.remsi %add3A_202, %rem3A_229 : i32
        %mul3A_231 = arith.constant 8 : i32
        %mul3A_232 = arith.muli %rem3A_230, %mul3A_231 : i32
        %mul3A_233 = arith.constant 2 : i32
        %mul3A_234 = arith.muli %select_n3A_228, %mul3A_233 : i32
        %add3A_235 = arith.constant 0 : i32
        %add3A_236 = arith.addi %mul3A_234, %add3A_235 : i32
        %mul3A_237 = arith.constant 128 : i32
        %mul3A_238 = arith.muli %add3A_236, %mul3A_237 : i32
        %add3A_239 = arith.addi %mul3A_238, %mul3A_232 : i32
        %mul3A_240 = arith.constant 1024 : i32
        %mul3A_241 = arith.muli %add3A_239, %mul3A_240 : i32
        %mul3A_242 = arith.constant 2 : i32
        %mul3A_243 = arith.muli %select_n3A_228, %mul3A_242 : i32
        %add3A_244 = arith.constant 1 : i32
        %add3A_245 = arith.addi %mul3A_243, %add3A_244 : i32
        %mul3A_246 = arith.constant 128 : i32
        %mul3A_247 = arith.muli %add3A_245, %mul3A_246 : i32
        %add3A_248 = arith.addi %mul3A_247, %mul3A_232 : i32
        %mul3A_249 = arith.constant 1024 : i32
        %mul3A_250 = arith.muli %add3A_248, %mul3A_249 : i32
        %dma_start3A = arith.constant 0 : i32
        %dma_start3A_251 = tpu.memref_slice %arg7[%rem3A_204, %dma_start3A] : memref<2x16384xf32, #tpu.memory_space<vmem>> -> memref<1x8192xf32, #tpu.memory_space<vmem>>
        %dma_start3A_252 = tpu.memref_squeeze %dma_start3A_251 : memref<1x8192xf32, #tpu.memory_space<vmem>> -> memref<8192xf32, #tpu.memory_space<vmem>>
        %dma_start3A_253 = tpu.memref_slice %arg4[%mul3A_241] : memref<52428800xf32, #tpu.memory_space<hbm>> -> memref<8192xf32, #tpu.memory_space<hbm>>
        %dma_start3A_254 = tpu.memref_slice %arg10[%rem3A_204] : memref<2x!tpu.dma_semaphore, #tpu.memory_space<semaphore_mem>> -> memref<1x!tpu.dma_semaphore, #tpu.memory_space<semaphore_mem>>
        %dma_start3A_255 = tpu.memref_squeeze %dma_start3A_254 : memref<1x!tpu.dma_semaphore, #tpu.memory_space<semaphore_mem>> -> memref<!tpu.dma_semaphore, #tpu.memory_space<semaphore_mem>>
        %dma_start3A_256 = tpu.memref_slice %arg4[%mul3A_241] : memref<52428800xf32, #tpu.memory_space<hbm>> -> memref<8192xf32, #tpu.memory_space<hbm>>
        %dma_start3A_257 = arith.constant 0 : i32
        %dma_start3A_258 = tpu.memref_slice %arg7[%rem3A_204, %dma_start3A_257] : memref<2x16384xf32, #tpu.memory_space<vmem>> -> memref<1x8192xf32, #tpu.memory_space<vmem>>
        %dma_start3A_259 = tpu.memref_squeeze %dma_start3A_258 : memref<1x8192xf32, #tpu.memory_space<vmem>> -> memref<8192xf32, #tpu.memory_space<vmem>>
        tpu.enqueue_dma source(%dma_start3A_259 : memref<8192xf32, #tpu.memory_space<vmem>>) target(%dma_start3A_256 : memref<8192xf32, #tpu.memory_space<hbm>>) target_semaphore(%dma_start3A_255 : memref<!tpu.dma_semaphore, #tpu.memory_space<semaphore_mem>>)
        %dma_start3A_260 = arith.constant 8192 : i32
        %dma_start3A_261 = tpu.memref_slice %arg7[%rem3A_204, %dma_start3A_260] : memref<2x16384xf32, #tpu.memory_space<vmem>> -> memref<1x8192xf32, #tpu.memory_space<vmem>>
        %dma_start3A_262 = tpu.memref_squeeze %dma_start3A_261 : memref<1x8192xf32, #tpu.memory_space<vmem>> -> memref<8192xf32, #tpu.memory_space<vmem>>
        %dma_start3A_263 = tpu.memref_slice %arg4[%mul3A_250] : memref<52428800xf32, #tpu.memory_space<hbm>> -> memref<8192xf32, #tpu.memory_space<hbm>>
        %dma_start3A_264 = tpu.memref_slice %arg10[%rem3A_204] : memref<2x!tpu.dma_semaphore, #tpu.memory_space<semaphore_mem>> -> memref<1x!tpu.dma_semaphore, #tpu.memory_space<semaphore_mem>>
        %dma_start3A_265 = tpu.memref_squeeze %dma_start3A_264 : memref<1x!tpu.dma_semaphore, #tpu.memory_space<semaphore_mem>> -> memref<!tpu.dma_semaphore, #tpu.memory_space<semaphore_mem>>
        %dma_start3A_266 = tpu.memref_slice %arg4[%mul3A_250] : memref<52428800xf32, #tpu.memory_space<hbm>> -> memref<8192xf32, #tpu.memory_space<hbm>>
        %dma_start3A_267 = arith.constant 8192 : i32
        %dma_start3A_268 = tpu.memref_slice %arg7[%rem3A_204, %dma_start3A_267] : memref<2x16384xf32, #tpu.memory_space<vmem>> -> memref<1x8192xf32, #tpu.memory_space<vmem>>
        %dma_start3A_269 = tpu.memref_squeeze %dma_start3A_268 : memref<1x8192xf32, #tpu.memory_space<vmem>> -> memref<8192xf32, #tpu.memory_space<vmem>>
        tpu.enqueue_dma source(%dma_start3A_269 : memref<8192xf32, #tpu.memory_space<vmem>>) target(%dma_start3A_266 : memref<8192xf32, #tpu.memory_space<hbm>>) target_semaphore(%dma_start3A_265 : memref<!tpu.dma_semaphore, #tpu.memory_space<semaphore_mem>>)
      } else {
      }
    }
    %scan3A_7 = arith.constant 102 : i32
    %add3A_8 = arith.constant 100 : i32
    %add3A_9 = arith.addi %mul3A_2, %add3A_8 : i32
    %sub3A = arith.constant 2 : i32
    %sub3A_10 = arith.subi %add3A_9, %sub3A : i32
    %add3A_11 = arith.constant 0 : i32
    %add3A_12 = arith.addi %sub3A_10, %add3A_11 : i32
    %rem3A = arith.constant 2 : i32
    %rem3A_13 = arith.remsi %add3A_12, %rem3A : i32
    %jit3A = arith.constant 16 : i32
    %div3A = arith.divsi %add3A_12, %jit3A : i32
    %sign3A = arith.constant 0 : i32
    %sign3A_14 = arith.cmpi sgt, %add3A_12, %sign3A : i32
    %sign3A_15 = arith.extui %sign3A_14 : i1 to i32
    %sign3A_16 = arith.constant 0 : i32
    %sign3A_17 = arith.cmpi slt, %add3A_12, %sign3A_16 : i32
    %sign3A_18 = arith.extui %sign3A_17 : i1 to i32
    %sign3A_19 = arith.subi %sign3A_15, %sign3A_18 : i32
    %sign3A_20 = arith.constant 0 : i32
    %sign3A_21 = arith.cmpi sgt, %jit3A, %sign3A_20 : i32
    %sign3A_22 = arith.extui %sign3A_21 : i1 to i32
    %sign3A_23 = arith.constant 0 : i32
    %sign3A_24 = arith.cmpi slt, %jit3A, %sign3A_23 : i32
    %sign3A_25 = arith.extui %sign3A_24 : i1 to i32
    %sign3A_26 = arith.subi %sign3A_22, %sign3A_25 : i32
    %ne3A = arith.cmpi ne, %sign3A_19, %sign3A_26 : i32
    %rem3A_27 = arith.remsi %add3A_12, %jit3A : i32
    %ne3A_28 = arith.constant 0 : i32
    %ne3A_29 = arith.cmpi ne, %rem3A_27, %ne3A_28 : i32
    %and3A = arith.andi %ne3A, %ne3A_29 : i1
    %sub3A_30 = arith.constant 1 : i32
    %sub3A_31 = arith.subi %div3A, %sub3A_30 : i32
    %select_n3A = arith.select %and3A, %sub3A_31, %div3A : i32
    %rem3A_32 = arith.constant 16 : i32
    %rem3A_33 = arith.remsi %add3A_12, %rem3A_32 : i32
    %mul3A_34 = arith.constant 8 : i32
    %mul3A_35 = arith.muli %rem3A_33, %mul3A_34 : i32
    %mul3A_36 = arith.constant 2 : i32
    %mul3A_37 = arith.muli %select_n3A, %mul3A_36 : i32
    %add3A_38 = arith.constant 0 : i32
    %add3A_39 = arith.addi %mul3A_37, %add3A_38 : i32
    %mul3A_40 = arith.constant 128 : i32
    %mul3A_41 = arith.muli %add3A_39, %mul3A_40 : i32
    %add3A_42 = arith.addi %mul3A_41, %mul3A_35 : i32
    %mul3A_43 = arith.constant 1024 : i32
    %mul3A_44 = arith.muli %add3A_42, %mul3A_43 : i32
    %mul3A_45 = arith.constant 2 : i32
    %mul3A_46 = arith.muli %select_n3A, %mul3A_45 : i32
    %add3A_47 = arith.constant 1 : i32
    %add3A_48 = arith.addi %mul3A_46, %add3A_47 : i32
    %mul3A_49 = arith.constant 128 : i32
    %mul3A_50 = arith.muli %add3A_48, %mul3A_49 : i32
    %add3A_51 = arith.addi %mul3A_50, %mul3A_35 : i32
    %mul3A_52 = arith.constant 1024 : i32
    %mul3A_53 = arith.muli %add3A_51, %mul3A_52 : i32
    %dma_wait3A = arith.constant 0 : i32
    %dma_wait3A_54 = tpu.memref_slice %arg7[%rem3A_13, %dma_wait3A] : memref<2x16384xf32, #tpu.memory_space<vmem>> -> memref<1x8192xf32, #tpu.memory_space<vmem>>
    %dma_wait3A_55 = tpu.memref_squeeze %dma_wait3A_54 : memref<1x8192xf32, #tpu.memory_space<vmem>> -> memref<8192xf32, #tpu.memory_space<vmem>>
    %dma_wait3A_56 = tpu.memref_slice %arg4[%mul3A_44] : memref<52428800xf32, #tpu.memory_space<hbm>> -> memref<8192xf32, #tpu.memory_space<hbm>>
    %dma_wait3A_57 = tpu.memref_slice %arg10[%rem3A_13] : memref<2x!tpu.dma_semaphore, #tpu.memory_space<semaphore_mem>> -> memref<1x!tpu.dma_semaphore, #tpu.memory_space<semaphore_mem>>
    %dma_wait3A_58 = tpu.memref_squeeze %dma_wait3A_57 : memref<1x!tpu.dma_semaphore, #tpu.memory_space<semaphore_mem>> -> memref<!tpu.dma_semaphore, #tpu.memory_space<semaphore_mem>>
    %dma_wait3A_59 = tpu.memref_slice %arg4[%mul3A_44] : memref<52428800xf32, #tpu.memory_space<hbm>> -> memref<8192xf32, #tpu.memory_space<hbm>>
    %dma_wait3A_60 = arith.constant 0 : i32
    %dma_wait3A_61 = tpu.memref_slice %arg7[%rem3A_13, %dma_wait3A_60] : memref<2x16384xf32, #tpu.memory_space<vmem>> -> memref<1x8192xf32, #tpu.memory_space<vmem>>
    %dma_wait3A_62 = tpu.memref_squeeze %dma_wait3A_61 : memref<1x8192xf32, #tpu.memory_space<vmem>> -> memref<8192xf32, #tpu.memory_space<vmem>>
    tpu.wait_dma2 semaphore(%dma_wait3A_58 : memref<!tpu.dma_semaphore, #tpu.memory_space<semaphore_mem>>) src(%dma_wait3A_62 : memref<8192xf32, #tpu.memory_space<vmem>>) dst(%dma_wait3A_59 : memref<8192xf32, #tpu.memory_space<hbm>>)
    %dma_wait3A_63 = arith.constant 8192 : i32
    %dma_wait3A_64 = tpu.memref_slice %arg7[%rem3A_13, %dma_wait3A_63] : memref<2x16384xf32, #tpu.memory_space<vmem>> -> memref<1x8192xf32, #tpu.memory_space<vmem>>
    %dma_wait3A_65 = tpu.memref_squeeze %dma_wait3A_64 : memref<1x8192xf32, #tpu.memory_space<vmem>> -> memref<8192xf32, #tpu.memory_space<vmem>>
    %dma_wait3A_66 = tpu.memref_slice %arg4[%mul3A_53] : memref<52428800xf32, #tpu.memory_space<hbm>> -> memref<8192xf32, #tpu.memory_space<hbm>>
    %dma_wait3A_67 = tpu.memref_slice %arg10[%rem3A_13] : memref<2x!tpu.dma_semaphore, #tpu.memory_space<semaphore_mem>> -> memref<1x!tpu.dma_semaphore, #tpu.memory_space<semaphore_mem>>
    %dma_wait3A_68 = tpu.memref_squeeze %dma_wait3A_67 : memref<1x!tpu.dma_semaphore, #tpu.memory_space<semaphore_mem>> -> memref<!tpu.dma_semaphore, #tpu.memory_space<semaphore_mem>>
    %dma_wait3A_69 = tpu.memref_slice %arg4[%mul3A_53] : memref<52428800xf32, #tpu.memory_space<hbm>> -> memref<8192xf32, #tpu.memory_space<hbm>>
    %dma_wait3A_70 = arith.constant 8192 : i32
    %dma_wait3A_71 = tpu.memref_slice %arg7[%rem3A_13, %dma_wait3A_70] : memref<2x16384xf32, #tpu.memory_space<vmem>> -> memref<1x8192xf32, #tpu.memory_space<vmem>>
    %dma_wait3A_72 = tpu.memref_squeeze %dma_wait3A_71 : memref<1x8192xf32, #tpu.memory_space<vmem>> -> memref<8192xf32, #tpu.memory_space<vmem>>
    tpu.wait_dma2 semaphore(%dma_wait3A_68 : memref<!tpu.dma_semaphore, #tpu.memory_space<semaphore_mem>>) src(%dma_wait3A_72 : memref<8192xf32, #tpu.memory_space<vmem>>) dst(%dma_wait3A_69 : memref<8192xf32, #tpu.memory_space<hbm>>)
    %add3A_73 = arith.constant 100 : i32
    %add3A_74 = arith.addi %mul3A_2, %add3A_73 : i32
    %sub3A_75 = arith.constant 2 : i32
    %sub3A_76 = arith.subi %add3A_74, %sub3A_75 : i32
    %add3A_77 = arith.constant 1 : i32
    %add3A_78 = arith.addi %sub3A_76, %add3A_77 : i32
    %rem3A_79 = arith.constant 2 : i32
    %rem3A_80 = arith.remsi %add3A_78, %rem3A_79 : i32
    %jit3A_81 = arith.constant 16 : i32
    %div3A_82 = arith.divsi %add3A_78, %jit3A_81 : i32
    %sign3A_83 = arith.constant 0 : i32
    %sign3A_84 = arith.cmpi sgt, %add3A_78, %sign3A_83 : i32
    %sign3A_85 = arith.extui %sign3A_84 : i1 to i32
    %sign3A_86 = arith.constant 0 : i32
    %sign3A_87 = arith.cmpi slt, %add3A_78, %sign3A_86 : i32
    %sign3A_88 = arith.extui %sign3A_87 : i1 to i32
    %sign3A_89 = arith.subi %sign3A_85, %sign3A_88 : i32
    %sign3A_90 = arith.constant 0 : i32
    %sign3A_91 = arith.cmpi sgt, %jit3A_81, %sign3A_90 : i32
    %sign3A_92 = arith.extui %sign3A_91 : i1 to i32
    %sign3A_93 = arith.constant 0 : i32
    %sign3A_94 = arith.cmpi slt, %jit3A_81, %sign3A_93 : i32
    %sign3A_95 = arith.extui %sign3A_94 : i1 to i32
    %sign3A_96 = arith.subi %sign3A_92, %sign3A_95 : i32
    %ne3A_97 = arith.cmpi ne, %sign3A_89, %sign3A_96 : i32
    %rem3A_98 = arith.remsi %add3A_78, %jit3A_81 : i32
    %ne3A_99 = arith.constant 0 : i32
    %ne3A_100 = arith.cmpi ne, %rem3A_98, %ne3A_99 : i32
    %and3A_101 = arith.andi %ne3A_97, %ne3A_100 : i1
    %sub3A_102 = arith.constant 1 : i32
    %sub3A_103 = arith.subi %div3A_82, %sub3A_102 : i32
    %select_n3A_104 = arith.select %and3A_101, %sub3A_103, %div3A_82 : i32
    %rem3A_105 = arith.constant 16 : i32
    %rem3A_106 = arith.remsi %add3A_78, %rem3A_105 : i32
    %mul3A_107 = arith.constant 8 : i32
    %mul3A_108 = arith.muli %rem3A_106, %mul3A_107 : i32
    %mul3A_109 = arith.constant 2 : i32
    %mul3A_110 = arith.muli %select_n3A_104, %mul3A_109 : i32
    %add3A_111 = arith.constant 0 : i32
    %add3A_112 = arith.addi %mul3A_110, %add3A_111 : i32
    %mul3A_113 = arith.constant 128 : i32
    %mul3A_114 = arith.muli %add3A_112, %mul3A_113 : i32
    %add3A_115 = arith.addi %mul3A_114, %mul3A_108 : i32
    %mul3A_116 = arith.constant 1024 : i32
    %mul3A_117 = arith.muli %add3A_115, %mul3A_116 : i32
    %mul3A_118 = arith.constant 2 : i32
    %mul3A_119 = arith.muli %select_n3A_104, %mul3A_118 : i32
    %add3A_120 = arith.constant 1 : i32
    %add3A_121 = arith.addi %mul3A_119, %add3A_120 : i32
    %mul3A_122 = arith.constant 128 : i32
    %mul3A_123 = arith.muli %add3A_121, %mul3A_122 : i32
    %add3A_124 = arith.addi %mul3A_123, %mul3A_108 : i32
    %mul3A_125 = arith.constant 1024 : i32
    %mul3A_126 = arith.muli %add3A_124, %mul3A_125 : i32
    %dma_wait3A_127 = arith.constant 0 : i32
    %dma_wait3A_128 = tpu.memref_slice %arg7[%rem3A_80, %dma_wait3A_127] : memref<2x16384xf32, #tpu.memory_space<vmem>> -> memref<1x8192xf32, #tpu.memory_space<vmem>>
    %dma_wait3A_129 = tpu.memref_squeeze %dma_wait3A_128 : memref<1x8192xf32, #tpu.memory_space<vmem>> -> memref<8192xf32, #tpu.memory_space<vmem>>
    %dma_wait3A_130 = tpu.memref_slice %arg4[%mul3A_117] : memref<52428800xf32, #tpu.memory_space<hbm>> -> memref<8192xf32, #tpu.memory_space<hbm>>
    %dma_wait3A_131 = tpu.memref_slice %arg10[%rem3A_80] : memref<2x!tpu.dma_semaphore, #tpu.memory_space<semaphore_mem>> -> memref<1x!tpu.dma_semaphore, #tpu.memory_space<semaphore_mem>>
    %dma_wait3A_132 = tpu.memref_squeeze %dma_wait3A_131 : memref<1x!tpu.dma_semaphore, #tpu.memory_space<semaphore_mem>> -> memref<!tpu.dma_semaphore, #tpu.memory_space<semaphore_mem>>
    %dma_wait3A_133 = tpu.memref_slice %arg4[%mul3A_117] : memref<52428800xf32, #tpu.memory_space<hbm>> -> memref<8192xf32, #tpu.memory_space<hbm>>
    %dma_wait3A_134 = arith.constant 0 : i32
    %dma_wait3A_135 = tpu.memref_slice %arg7[%rem3A_80, %dma_wait3A_134] : memref<2x16384xf32, #tpu.memory_space<vmem>> -> memref<1x8192xf32, #tpu.memory_space<vmem>>
    %dma_wait3A_136 = tpu.memref_squeeze %dma_wait3A_135 : memref<1x8192xf32, #tpu.memory_space<vmem>> -> memref<8192xf32, #tpu.memory_space<vmem>>
    tpu.wait_dma2 semaphore(%dma_wait3A_132 : memref<!tpu.dma_semaphore, #tpu.memory_space<semaphore_mem>>) src(%dma_wait3A_136 : memref<8192xf32, #tpu.memory_space<vmem>>) dst(%dma_wait3A_133 : memref<8192xf32, #tpu.memory_space<hbm>>)
    %dma_wait3A_137 = arith.constant 8192 : i32
    %dma_wait3A_138 = tpu.memref_slice %arg7[%rem3A_80, %dma_wait3A_137] : memref<2x16384xf32, #tpu.memory_space<vmem>> -> memref<1x8192xf32, #tpu.memory_space<vmem>>
    %dma_wait3A_139 = tpu.memref_squeeze %dma_wait3A_138 : memref<1x8192xf32, #tpu.memory_space<vmem>> -> memref<8192xf32, #tpu.memory_space<vmem>>
    %dma_wait3A_140 = tpu.memref_slice %arg4[%mul3A_126] : memref<52428800xf32, #tpu.memory_space<hbm>> -> memref<8192xf32, #tpu.memory_space<hbm>>
    %dma_wait3A_141 = tpu.memref_slice %arg10[%rem3A_80] : memref<2x!tpu.dma_semaphore, #tpu.memory_space<semaphore_mem>> -> memref<1x!tpu.dma_semaphore, #tpu.memory_space<semaphore_mem>>
    %dma_wait3A_142 = tpu.memref_squeeze %dma_wait3A_141 : memref<1x!tpu.dma_semaphore, #tpu.memory_space<semaphore_mem>> -> memref<!tpu.dma_semaphore, #tpu.memory_space<semaphore_mem>>
    %dma_wait3A_143 = tpu.memref_slice %arg4[%mul3A_126] : memref<52428800xf32, #tpu.memory_space<hbm>> -> memref<8192xf32, #tpu.memory_space<hbm>>
    %dma_wait3A_144 = arith.constant 8192 : i32
    %dma_wait3A_145 = tpu.memref_slice %arg7[%rem3A_80, %dma_wait3A_144] : memref<2x16384xf32, #tpu.memory_space<vmem>> -> memref<1x8192xf32, #tpu.memory_space<vmem>>
    %dma_wait3A_146 = tpu.memref_squeeze %dma_wait3A_145 : memref<1x8192xf32, #tpu.memory_space<vmem>> -> memref<8192xf32, #tpu.memory_space<vmem>>
    tpu.wait_dma2 semaphore(%dma_wait3A_142 : memref<!tpu.dma_semaphore, #tpu.memory_space<semaphore_mem>>) src(%dma_wait3A_146 : memref<8192xf32, #tpu.memory_space<vmem>>) dst(%dma_wait3A_143 : memref<8192xf32, #tpu.memory_space<hbm>>)
    return
  }
}

#map = affine_map<(d0, d1) -> (0, 0)>
#map1 = affine_map<(d0, d1) -> (0)>
module attributes {stable_mosaic.version = 14 : i64} {
  func.func @_detile_table(%arg0: i32, %arg1: i32, %arg2: memref<16x1000000xf32, #tpu.memory_space<hbm>>, %arg3: memref<9216xf32, #tpu.memory_space<hbm>>, %arg4: memref<16000000xf32, #tpu.memory_space<hbm>>, %arg5: memref<2x2x8x1024xf32, #tpu.memory_space<vmem>>, %arg6: memref<2x16384xf32, #tpu.memory_space<vmem>>, %arg7: memref<2x!tpu.dma_semaphore, #tpu.memory_space<semaphore_mem>>, %arg8: memref<2x!tpu.dma_semaphore, #tpu.memory_space<semaphore_mem>>) attributes {dimension_semantics = [#tpu.dimension_semantics<core_parallel>, #tpu.dimension_semantics<subcore_parallel>], iteration_bounds = array<i64: 2, 16>, scalar_prefetch = 0 : i64, scratch_operands = 4 : i64, tpu.core_type = #tpu.core_type<sc_vector_subcore>, window_params = [{transform_indices = #map}, {transform_indices = #map1}, {transform_indices = #map1}]} {
    %mul3A = arith.constant 2 : i32
    %mul3A_0 = arith.muli %arg1, %mul3A : i32
    %add3A = arith.addi %mul3A_0, %arg0 : i32
    %iota3A = tpu.iota {dimensions = array<i32: 0>} : vector<16xi32>
    %shift_right_logical3A = arith.constant 3 : i32
    %shift_right_logical3A_1 = vector.broadcast %shift_right_logical3A : i32 to vector<16xi32>
    %shift_right_logical3A_2 = arith.shrui %iota3A, %shift_right_logical3A_1 : vector<16xi32>
    %and3A = arith.constant 7 : i32
    %and3A_3 = vector.broadcast %and3A : i32 to vector<16xi32>
    %and3A_4 = arith.andi %iota3A, %and3A_3 : vector<16xi32>
    %scan3A = arith.constant 0 : i32
    %scan3A_5 = arith.constant 0 : i32
    %scan3A_6 = arith.constant 32 : i32
    %scan3A_7 = arith.addi %scan3A_5, %scan3A_6 : i32
    %scan3A_8 = arith.constant 1 : i32
    scf.for %scan3A_25 = %scan3A_5 to %scan3A_7 step %scan3A_8  : i32 {
      %lt3A_26 = arith.constant 31 : i32
      %lt3A_27 = arith.cmpi slt, %scan3A_25, %lt3A_26 : i32
      %mul3A_28 = arith.constant 32 : i32
      %mul3A_29 = arith.muli %scan3A_25, %mul3A_28 : i32
      %add3A_30 = arith.addi %add3A, %mul3A_29 : i32
      %lt3A_31 = arith.constant 976 : i32
      %lt3A_32 = arith.cmpi slt, %add3A_30, %lt3A_31 : i32
      %and3A_33 = arith.andi %lt3A_27, %lt3A_32 : i1
      %convert_element_type3A_34 = arith.extui %and3A_33 : i1 to i32
      %cond3A_35 = arith.constant 0 : i32
      %cond3A_36 = arith.cmpi ne, %convert_element_type3A_34, %cond3A_35 : i32
      scf.if %cond3A_36 {
        %rem3A = arith.constant 2 : i32
        %rem3A_48 = arith.remsi %scan3A_25, %rem3A : i32
        %mul3A_49 = arith.constant 32 : i32
        %mul3A_50 = arith.muli %scan3A_25, %mul3A_49 : i32
        %add3A_51 = arith.addi %add3A, %mul3A_50 : i32
        %mul3A_52 = arith.constant 1024 : i32
        %mul3A_53 = arith.muli %add3A_51, %mul3A_52 : i32
        %dma_start3A = arith.constant 0 : i32
        %dma_start3A_54 = arith.constant 0 : i32
        %dma_start3A_55 = arith.constant 0 : i32
        %dma_start3A_56 = tpu.memref_slice %arg5[%rem3A_48, %dma_start3A, %dma_start3A_54, %dma_start3A_55] : memref<2x2x8x1024xf32, #tpu.memory_space<vmem>> -> memref<1x1x8x1024xf32, #tpu.memory_space<vmem>>
        %dma_start3A_57 = tpu.memref_squeeze %dma_start3A_56 : memref<1x1x8x1024xf32, #tpu.memory_space<vmem>> -> memref<8x1024xf32, #tpu.memory_space<vmem>>
        %dma_start3A_58 = arith.constant 0 : i32
        %dma_start3A_59 = tpu.memref_slice %arg2[%dma_start3A_58, %mul3A_53] : memref<16x1000000xf32, #tpu.memory_space<hbm>> -> memref<8x1024xf32, #tpu.memory_space<hbm>>
        %dma_start3A_60 = tpu.memref_slice %arg7[%rem3A_48] : memref<2x!tpu.dma_semaphore, #tpu.memory_space<semaphore_mem>> -> memref<1x!tpu.dma_semaphore, #tpu.memory_space<semaphore_mem>>
        %dma_start3A_61 = tpu.memref_squeeze %dma_start3A_60 : memref<1x!tpu.dma_semaphore, #tpu.memory_space<semaphore_mem>> -> memref<!tpu.dma_semaphore, #tpu.memory_space<semaphore_mem>>
        %dma_start3A_62 = arith.constant 0 : i32
        %dma_start3A_63 = arith.constant 0 : i32
        %dma_start3A_64 = tpu.memref_slice %arg5[%rem3A_48, %dma_start3A, %dma_start3A_62, %dma_start3A_63] : memref<2x2x8x1024xf32, #tpu.memory_space<vmem>> -> memref<1x1x8x1024xf32, #tpu.memory_space<vmem>>
        %dma_start3A_65 = tpu.memref_squeeze %dma_start3A_64 : memref<1x1x8x1024xf32, #tpu.memory_space<vmem>> -> memref<8x1024xf32, #tpu.memory_space<vmem>>
        %dma_start3A_66 = arith.constant 0 : i32
        %dma_start3A_67 = tpu.memref_slice %arg2[%dma_start3A_66, %mul3A_53] : memref<16x1000000xf32, #tpu.memory_space<hbm>> -> memref<8x1024xf32, #tpu.memory_space<hbm>>
        tpu.enqueue_dma source(%dma_start3A_67 : memref<8x1024xf32, #tpu.memory_space<hbm>>) target(%dma_start3A_65 : memref<8x1024xf32, #tpu.memory_space<vmem>>) target_semaphore(%dma_start3A_61 : memref<!tpu.dma_semaphore, #tpu.memory_space<semaphore_mem>>)
        %dma_start3A_68 = arith.constant 1 : i32
        %dma_start3A_69 = arith.constant 0 : i32
        %dma_start3A_70 = arith.constant 0 : i32
        %dma_start3A_71 = tpu.memref_slice %arg5[%rem3A_48, %dma_start3A_68, %dma_start3A_69, %dma_start3A_70] : memref<2x2x8x1024xf32, #tpu.memory_space<vmem>> -> memref<1x1x8x1024xf32, #tpu.memory_space<vmem>>
        %dma_start3A_72 = tpu.memref_squeeze %dma_start3A_71 : memref<1x1x8x1024xf32, #tpu.memory_space<vmem>> -> memref<8x1024xf32, #tpu.memory_space<vmem>>
        %dma_start3A_73 = arith.constant 8 : i32
        %dma_start3A_74 = tpu.memref_slice %arg2[%dma_start3A_73, %mul3A_53] : memref<16x1000000xf32, #tpu.memory_space<hbm>> -> memref<8x1024xf32, #tpu.memory_space<hbm>>
        %dma_start3A_75 = tpu.memref_slice %arg7[%rem3A_48] : memref<2x!tpu.dma_semaphore, #tpu.memory_space<semaphore_mem>> -> memref<1x!tpu.dma_semaphore, #tpu.memory_space<semaphore_mem>>
        %dma_start3A_76 = tpu.memref_squeeze %dma_start3A_75 : memref<1x!tpu.dma_semaphore, #tpu.memory_space<semaphore_mem>> -> memref<!tpu.dma_semaphore, #tpu.memory_space<semaphore_mem>>
        %dma_start3A_77 = arith.constant 0 : i32
        %dma_start3A_78 = arith.constant 0 : i32
        %dma_start3A_79 = tpu.memref_slice %arg5[%rem3A_48, %dma_start3A_68, %dma_start3A_77, %dma_start3A_78] : memref<2x2x8x1024xf32, #tpu.memory_space<vmem>> -> memref<1x1x8x1024xf32, #tpu.memory_space<vmem>>
        %dma_start3A_80 = tpu.memref_squeeze %dma_start3A_79 : memref<1x1x8x1024xf32, #tpu.memory_space<vmem>> -> memref<8x1024xf32, #tpu.memory_space<vmem>>
        %dma_start3A_81 = arith.constant 8 : i32
        %dma_start3A_82 = tpu.memref_slice %arg2[%dma_start3A_81, %mul3A_53] : memref<16x1000000xf32, #tpu.memory_space<hbm>> -> memref<8x1024xf32, #tpu.memory_space<hbm>>
        tpu.enqueue_dma source(%dma_start3A_82 : memref<8x1024xf32, #tpu.memory_space<hbm>>) target(%dma_start3A_80 : memref<8x1024xf32, #tpu.memory_space<vmem>>) target_semaphore(%dma_start3A_76 : memref<!tpu.dma_semaphore, #tpu.memory_space<semaphore_mem>>)
      } else {
      }
      %sub3A = arith.constant 1 : i32
      %sub3A_37 = arith.subi %scan3A_25, %sub3A : i32
      %ge3A = arith.constant 0 : i32
      %ge3A_38 = arith.cmpi sge, %sub3A_37, %ge3A : i32
      %mul3A_39 = arith.constant 32 : i32
      %mul3A_40 = arith.muli %sub3A_37, %mul3A_39 : i32
      %add3A_41 = arith.addi %add3A, %mul3A_40 : i32
      %lt3A_42 = arith.constant 976 : i32
      %lt3A_43 = arith.cmpi slt, %add3A_41, %lt3A_42 : i32
      %and3A_44 = arith.andi %ge3A_38, %lt3A_43 : i1
      %convert_element_type3A_45 = arith.extui %and3A_44 : i1 to i32
      %cond3A_46 = arith.constant 0 : i32
      %cond3A_47 = arith.cmpi ne, %convert_element_type3A_45, %cond3A_46 : i32
      scf.if %cond3A_47 {
        %rem3A = arith.constant 2 : i32
        %rem3A_48 = arith.remsi %sub3A_37, %rem3A : i32
        %mul3A_49 = arith.constant 32 : i32
        %mul3A_50 = arith.muli %sub3A_37, %mul3A_49 : i32
        %add3A_51 = arith.addi %add3A, %mul3A_50 : i32
        %mul3A_52 = arith.constant 1024 : i32
        %mul3A_53 = arith.muli %add3A_51, %mul3A_52 : i32
        %dma_wait3A = arith.constant 0 : i32
        %dma_wait3A_54 = arith.constant 0 : i32
        %dma_wait3A_55 = arith.constant 0 : i32
        %dma_wait3A_56 = tpu.memref_slice %arg5[%rem3A_48, %dma_wait3A, %dma_wait3A_54, %dma_wait3A_55] : memref<2x2x8x1024xf32, #tpu.memory_space<vmem>> -> memref<1x1x8x1024xf32, #tpu.memory_space<vmem>>
        %dma_wait3A_57 = tpu.memref_squeeze %dma_wait3A_56 : memref<1x1x8x1024xf32, #tpu.memory_space<vmem>> -> memref<8x1024xf32, #tpu.memory_space<vmem>>
        %dma_wait3A_58 = arith.constant 0 : i32
        %dma_wait3A_59 = tpu.memref_slice %arg2[%dma_wait3A_58, %mul3A_53] : memref<16x1000000xf32, #tpu.memory_space<hbm>> -> memref<8x1024xf32, #tpu.memory_space<hbm>>
        %dma_wait3A_60 = tpu.memref_slice %arg7[%rem3A_48] : memref<2x!tpu.dma_semaphore, #tpu.memory_space<semaphore_mem>> -> memref<1x!tpu.dma_semaphore, #tpu.memory_space<semaphore_mem>>
        %dma_wait3A_61 = tpu.memref_squeeze %dma_wait3A_60 : memref<1x!tpu.dma_semaphore, #tpu.memory_space<semaphore_mem>> -> memref<!tpu.dma_semaphore, #tpu.memory_space<semaphore_mem>>
        %dma_wait3A_62 = arith.constant 0 : i32
        %dma_wait3A_63 = arith.constant 0 : i32
        %dma_wait3A_64 = tpu.memref_slice %arg5[%rem3A_48, %dma_wait3A, %dma_wait3A_62, %dma_wait3A_63] : memref<2x2x8x1024xf32, #tpu.memory_space<vmem>> -> memref<1x1x8x1024xf32, #tpu.memory_space<vmem>>
        %dma_wait3A_65 = tpu.memref_squeeze %dma_wait3A_64 : memref<1x1x8x1024xf32, #tpu.memory_space<vmem>> -> memref<8x1024xf32, #tpu.memory_space<vmem>>
        %dma_wait3A_66 = arith.constant 0 : i32
        %dma_wait3A_67 = tpu.memref_slice %arg2[%dma_wait3A_66, %mul3A_53] : memref<16x1000000xf32, #tpu.memory_space<hbm>> -> memref<8x1024xf32, #tpu.memory_space<hbm>>
        tpu.wait_dma2 semaphore(%dma_wait3A_61 : memref<!tpu.dma_semaphore, #tpu.memory_space<semaphore_mem>>) src(%dma_wait3A_67 : memref<8x1024xf32, #tpu.memory_space<hbm>>) dst(%dma_wait3A_65 : memref<8x1024xf32, #tpu.memory_space<vmem>>)
        %dma_wait3A_68 = arith.constant 1 : i32
        %dma_wait3A_69 = arith.constant 0 : i32
        %dma_wait3A_70 = arith.constant 0 : i32
        %dma_wait3A_71 = tpu.memref_slice %arg5[%rem3A_48, %dma_wait3A_68, %dma_wait3A_69, %dma_wait3A_70] : memref<2x2x8x1024xf32, #tpu.memory_space<vmem>> -> memref<1x1x8x1024xf32, #tpu.memory_space<vmem>>
        %dma_wait3A_72 = tpu.memref_squeeze %dma_wait3A_71 : memref<1x1x8x1024xf32, #tpu.memory_space<vmem>> -> memref<8x1024xf32, #tpu.memory_space<vmem>>
        %dma_wait3A_73 = arith.constant 8 : i32
        %dma_wait3A_74 = tpu.memref_slice %arg2[%dma_wait3A_73, %mul3A_53] : memref<16x1000000xf32, #tpu.memory_space<hbm>> -> memref<8x1024xf32, #tpu.memory_space<hbm>>
        %dma_wait3A_75 = tpu.memref_slice %arg7[%rem3A_48] : memref<2x!tpu.dma_semaphore, #tpu.memory_space<semaphore_mem>> -> memref<1x!tpu.dma_semaphore, #tpu.memory_space<semaphore_mem>>
        %dma_wait3A_76 = tpu.memref_squeeze %dma_wait3A_75 : memref<1x!tpu.dma_semaphore, #tpu.memory_space<semaphore_mem>> -> memref<!tpu.dma_semaphore, #tpu.memory_space<semaphore_mem>>
        %dma_wait3A_77 = arith.constant 0 : i32
        %dma_wait3A_78 = arith.constant 0 : i32
        %dma_wait3A_79 = tpu.memref_slice %arg5[%rem3A_48, %dma_wait3A_68, %dma_wait3A_77, %dma_wait3A_78] : memref<2x2x8x1024xf32, #tpu.memory_space<vmem>> -> memref<1x1x8x1024xf32, #tpu.memory_space<vmem>>
        %dma_wait3A_80 = tpu.memref_squeeze %dma_wait3A_79 : memref<1x1x8x1024xf32, #tpu.memory_space<vmem>> -> memref<8x1024xf32, #tpu.memory_space<vmem>>
        %dma_wait3A_81 = arith.constant 8 : i32
        %dma_wait3A_82 = tpu.memref_slice %arg2[%dma_wait3A_81, %mul3A_53] : memref<16x1000000xf32, #tpu.memory_space<hbm>> -> memref<8x1024xf32, #tpu.memory_space<hbm>>
        tpu.wait_dma2 semaphore(%dma_wait3A_76 : memref<!tpu.dma_semaphore, #tpu.memory_space<semaphore_mem>>) src(%dma_wait3A_82 : memref<8x1024xf32, #tpu.memory_space<hbm>>) dst(%dma_wait3A_80 : memref<8x1024xf32, #tpu.memory_space<vmem>>)
        %ge3A_83 = arith.constant 2 : i32
        %ge3A_84 = arith.cmpi sge, %sub3A_37, %ge3A_83 : i32
        %convert_element_type3A_85 = arith.extui %ge3A_84 : i1 to i32
        %cond3A_86 = arith.constant 0 : i32
        %cond3A_87 = arith.cmpi ne, %convert_element_type3A_85, %cond3A_86 : i32
        scf.if %cond3A_87 {
          %sub3A_112 = arith.constant 2 : i32
          %sub3A_113 = arith.subi %sub3A_37, %sub3A_112 : i32
          %rem3A_114 = arith.constant 2 : i32
          %rem3A_115 = arith.remsi %sub3A_113, %rem3A_114 : i32
          %mul3A_116 = arith.constant 32 : i32
          %mul3A_117 = arith.muli %sub3A_113, %mul3A_116 : i32
          %add3A_118 = arith.addi %add3A, %mul3A_117 : i32
          %mul3A_119 = arith.constant 16384 : i32
          %mul3A_120 = arith.muli %add3A_118, %mul3A_119 : i32
          %dma_wait3A_121 = arith.constant 0 : i32
          %dma_wait3A_122 = tpu.memref_slice %arg6[%rem3A_115, %dma_wait3A_121] : memref<2x16384xf32, #tpu.memory_space<vmem>> -> memref<1x16384xf32, #tpu.memory_space<vmem>>
          %dma_wait3A_123 = tpu.memref_squeeze %dma_wait3A_122 : memref<1x16384xf32, #tpu.memory_space<vmem>> -> memref<16384xf32, #tpu.memory_space<vmem>>
          %dma_wait3A_124 = tpu.memref_slice %arg4[%mul3A_120] : memref<16000000xf32, #tpu.memory_space<hbm>> -> memref<16384xf32, #tpu.memory_space<hbm>>
          %dma_wait3A_125 = tpu.memref_slice %arg8[%rem3A_115] : memref<2x!tpu.dma_semaphore, #tpu.memory_space<semaphore_mem>> -> memref<1x!tpu.dma_semaphore, #tpu.memory_space<semaphore_mem>>
          %dma_wait3A_126 = tpu.memref_squeeze %dma_wait3A_125 : memref<1x!tpu.dma_semaphore, #tpu.memory_space<semaphore_mem>> -> memref<!tpu.dma_semaphore, #tpu.memory_space<semaphore_mem>>
          %dma_wait3A_127 = tpu.memref_slice %arg4[%mul3A_120] : memref<16000000xf32, #tpu.memory_space<hbm>> -> memref<16384xf32, #tpu.memory_space<hbm>>
          %dma_wait3A_128 = arith.constant 0 : i32
          %dma_wait3A_129 = tpu.memref_slice %arg6[%rem3A_115, %dma_wait3A_128] : memref<2x16384xf32, #tpu.memory_space<vmem>> -> memref<1x16384xf32, #tpu.memory_space<vmem>>
          %dma_wait3A_130 = tpu.memref_squeeze %dma_wait3A_129 : memref<1x16384xf32, #tpu.memory_space<vmem>> -> memref<16384xf32, #tpu.memory_space<vmem>>
          tpu.wait_dma2 semaphore(%dma_wait3A_126 : memref<!tpu.dma_semaphore, #tpu.memory_space<semaphore_mem>>) src(%dma_wait3A_130 : memref<16384xf32, #tpu.memory_space<vmem>>) dst(%dma_wait3A_127 : memref<16384xf32, #tpu.memory_space<hbm>>)
        } else {
        }
        %rem3A_88 = arith.constant 2 : i32
        %rem3A_89 = arith.remsi %sub3A_37, %rem3A_88 : i32
        %scan3A_90 = arith.constant 0 : i32
        %scan3A_91 = arith.constant 0 : i32
        %scan3A_92 = arith.constant 1024 : i32
        %scan3A_93 = arith.addi %scan3A_91, %scan3A_92 : i32
        %scan3A_94 = arith.constant 1 : i32
        scf.for %scan3A_112 = %scan3A_91 to %scan3A_93 step %scan3A_94  : i32 {
          %broadcast_in_dim3A = vector.broadcast %scan3A_112 : i32 to vector<16xi32>
          %gather3A = arith.constant 0 : i32
          %gather3A_113 = arith.constant 0 : i32
          %gather3A_114 = arith.constant 0 : i32
          %gather3A_115 = tpu.memref_slice %arg5[%rem3A_89, %gather3A, %gather3A_113, %gather3A_114] : memref<2x2x8x1024xf32, #tpu.memory_space<vmem>> -> memref<1x2x8x1024xf32, #tpu.memory_space<vmem>>
          %gather3A_116 = tpu.memref_squeeze %gather3A_115 : memref<1x2x8x1024xf32, #tpu.memory_space<vmem>> -> memref<2x8x1024xf32, #tpu.memory_space<vmem>>
          %gather3A_117 = tpu.vector_load_idx %gather3A_116[%shift_right_logical3A_2, %and3A_4, %broadcast_in_dim3A] : memref<2x8x1024xf32, #tpu.memory_space<vmem>>[vector<16xi32>, vector<16xi32>, vector<16xi32>], vector<16xf32>,
          %mul3A_118 = arith.constant 16 : i32
          %mul3A_119 = arith.muli %scan3A_112, %mul3A_118 : i32
          %swap3A = arith.index_cast %rem3A_89 : i32 to index
          %swap3A_120 = arith.index_cast %mul3A_119 : i32 to index
          %swap3A_121 = tpu.vector_load %arg6[%swap3A, %swap3A_120] {strides = array<i32>} : memref<2x16384xf32, #tpu.memory_space<vmem>>, vector<16xf32>,
          tpu.vector_store %arg6[%swap3A, %swap3A_120], %gather3A_117 {strides = array<i32>} : memref<2x16384xf32, #tpu.memory_space<vmem>>, vector<16xf32>,
        }
        %scan3A_95 = arith.constant 1024 : i32
        %rem3A_96 = arith.constant 2 : i32
        %rem3A_97 = arith.remsi %sub3A_37, %rem3A_96 : i32
        %mul3A_98 = arith.constant 32 : i32
        %mul3A_99 = arith.muli %sub3A_37, %mul3A_98 : i32
        %add3A_100 = arith.addi %add3A, %mul3A_99 : i32
        %mul3A_101 = arith.constant 16384 : i32
        %mul3A_102 = arith.muli %add3A_100, %mul3A_101 : i32
        %dma_start3A = arith.constant 0 : i32
        %dma_start3A_103 = tpu.memref_slice %arg6[%rem3A_97, %dma_start3A] : memref<2x16384xf32, #tpu.memory_space<vmem>> -> memref<1x16384xf32, #tpu.memory_space<vmem>>
        %dma_start3A_104 = tpu.memref_squeeze %dma_start3A_103 : memref<1x16384xf32, #tpu.memory_space<vmem>> -> memref<16384xf32, #tpu.memory_space<vmem>>
        %dma_start3A_105 = tpu.memref_slice %arg4[%mul3A_102] : memref<16000000xf32, #tpu.memory_space<hbm>> -> memref<16384xf32, #tpu.memory_space<hbm>>
        %dma_start3A_106 = tpu.memref_slice %arg8[%rem3A_97] : memref<2x!tpu.dma_semaphore, #tpu.memory_space<semaphore_mem>> -> memref<1x!tpu.dma_semaphore, #tpu.memory_space<semaphore_mem>>
        %dma_start3A_107 = tpu.memref_squeeze %dma_start3A_106 : memref<1x!tpu.dma_semaphore, #tpu.memory_space<semaphore_mem>> -> memref<!tpu.dma_semaphore, #tpu.memory_space<semaphore_mem>>
        %dma_start3A_108 = tpu.memref_slice %arg4[%mul3A_102] : memref<16000000xf32, #tpu.memory_space<hbm>> -> memref<16384xf32, #tpu.memory_space<hbm>>
        %dma_start3A_109 = arith.constant 0 : i32
        %dma_start3A_110 = tpu.memref_slice %arg6[%rem3A_97, %dma_start3A_109] : memref<2x16384xf32, #tpu.memory_space<vmem>> -> memref<1x16384xf32, #tpu.memory_space<vmem>>
        %dma_start3A_111 = tpu.memref_squeeze %dma_start3A_110 : memref<1x16384xf32, #tpu.memory_space<vmem>> -> memref<16384xf32, #tpu.memory_space<vmem>>
        tpu.enqueue_dma source(%dma_start3A_111 : memref<16384xf32, #tpu.memory_space<vmem>>) target(%dma_start3A_108 : memref<16384xf32, #tpu.memory_space<hbm>>) target_semaphore(%dma_start3A_107 : memref<!tpu.dma_semaphore, #tpu.memory_space<semaphore_mem>>)
      } else {
      }
    }
    %scan3A_9 = arith.constant 32 : i32
    %add3A_10 = arith.constant 928 : i32
    %add3A_11 = arith.addi %add3A, %add3A_10 : i32
    %lt3A = arith.constant 976 : i32
    %lt3A_12 = arith.cmpi slt, %add3A_11, %lt3A : i32
    %convert_element_type3A = arith.extui %lt3A_12 : i1 to i32
    %cond3A = arith.constant 0 : i32
    %cond3A_13 = arith.cmpi ne, %convert_element_type3A, %cond3A : i32
    scf.if %cond3A_13 {
      %rem3A = arith.constant 29 : i32
      %rem3A_25 = arith.constant 2 : i32
      %rem3A_26 = arith.remsi %rem3A, %rem3A_25 : i32
      %add3A_27 = arith.constant 928 : i32
      %add3A_28 = arith.addi %add3A, %add3A_27 : i32
      %mul3A_29 = arith.constant 16384 : i32
      %mul3A_30 = arith.muli %add3A_28, %mul3A_29 : i32
      %dma_wait3A = arith.constant 0 : i32
      %dma_wait3A_31 = tpu.memref_slice %arg6[%rem3A_26, %dma_wait3A] : memref<2x16384xf32, #tpu.memory_space<vmem>> -> memref<1x16384xf32, #tpu.memory_space<vmem>>
      %dma_wait3A_32 = tpu.memref_squeeze %dma_wait3A_31 : memref<1x16384xf32, #tpu.memory_space<vmem>> -> memref<16384xf32, #tpu.memory_space<vmem>>
      %dma_wait3A_33 = tpu.memref_slice %arg4[%mul3A_30] : memref<16000000xf32, #tpu.memory_space<hbm>> -> memref<16384xf32, #tpu.memory_space<hbm>>
      %dma_wait3A_34 = tpu.memref_slice %arg8[%rem3A_26] : memref<2x!tpu.dma_semaphore, #tpu.memory_space<semaphore_mem>> -> memref<1x!tpu.dma_semaphore, #tpu.memory_space<semaphore_mem>>
      %dma_wait3A_35 = tpu.memref_squeeze %dma_wait3A_34 : memref<1x!tpu.dma_semaphore, #tpu.memory_space<semaphore_mem>> -> memref<!tpu.dma_semaphore, #tpu.memory_space<semaphore_mem>>
      %dma_wait3A_36 = tpu.memref_slice %arg4[%mul3A_30] : memref<16000000xf32, #tpu.memory_space<hbm>> -> memref<16384xf32, #tpu.memory_space<hbm>>
      %dma_wait3A_37 = arith.constant 0 : i32
      %dma_wait3A_38 = tpu.memref_slice %arg6[%rem3A_26, %dma_wait3A_37] : memref<2x16384xf32, #tpu.memory_space<vmem>> -> memref<1x16384xf32, #tpu.memory_space<vmem>>
      %dma_wait3A_39 = tpu.memref_squeeze %dma_wait3A_38 : memref<1x16384xf32, #tpu.memory_space<vmem>> -> memref<16384xf32, #tpu.memory_space<vmem>>
      tpu.wait_dma2 semaphore(%dma_wait3A_35 : memref<!tpu.dma_semaphore, #tpu.memory_space<semaphore_mem>>) src(%dma_wait3A_39 : memref<16384xf32, #tpu.memory_space<vmem>>) dst(%dma_wait3A_36 : memref<16384xf32, #tpu.memory_space<hbm>>)
    } else {
    }
    %add3A_14 = arith.constant 960 : i32
    %add3A_15 = arith.addi %add3A, %add3A_14 : i32
    %lt3A_16 = arith.constant 976 : i32
    %lt3A_17 = arith.cmpi slt, %add3A_15, %lt3A_16 : i32
    %convert_element_type3A_18 = arith.extui %lt3A_17 : i1 to i32
    %cond3A_19 = arith.constant 0 : i32
    %cond3A_20 = arith.cmpi ne, %convert_element_type3A_18, %cond3A_19 : i32
    scf.if %cond3A_20 {
      %rem3A = arith.constant 30 : i32
      %rem3A_25 = arith.constant 2 : i32
      %rem3A_26 = arith.remsi %rem3A, %rem3A_25 : i32
      %add3A_27 = arith.constant 960 : i32
      %add3A_28 = arith.addi %add3A, %add3A_27 : i32
      %mul3A_29 = arith.constant 16384 : i32
      %mul3A_30 = arith.muli %add3A_28, %mul3A_29 : i32
      %dma_wait3A = arith.constant 0 : i32
      %dma_wait3A_31 = tpu.memref_slice %arg6[%rem3A_26, %dma_wait3A] : memref<2x16384xf32, #tpu.memory_space<vmem>> -> memref<1x16384xf32, #tpu.memory_space<vmem>>
      %dma_wait3A_32 = tpu.memref_squeeze %dma_wait3A_31 : memref<1x16384xf32, #tpu.memory_space<vmem>> -> memref<16384xf32, #tpu.memory_space<vmem>>
      %dma_wait3A_33 = tpu.memref_slice %arg4[%mul3A_30] : memref<16000000xf32, #tpu.memory_space<hbm>> -> memref<16384xf32, #tpu.memory_space<hbm>>
      %dma_wait3A_34 = tpu.memref_slice %arg8[%rem3A_26] : memref<2x!tpu.dma_semaphore, #tpu.memory_space<semaphore_mem>> -> memref<1x!tpu.dma_semaphore, #tpu.memory_space<semaphore_mem>>
      %dma_wait3A_35 = tpu.memref_squeeze %dma_wait3A_34 : memref<1x!tpu.dma_semaphore, #tpu.memory_space<semaphore_mem>> -> memref<!tpu.dma_semaphore, #tpu.memory_space<semaphore_mem>>
      %dma_wait3A_36 = tpu.memref_slice %arg4[%mul3A_30] : memref<16000000xf32, #tpu.memory_space<hbm>> -> memref<16384xf32, #tpu.memory_space<hbm>>
      %dma_wait3A_37 = arith.constant 0 : i32
      %dma_wait3A_38 = tpu.memref_slice %arg6[%rem3A_26, %dma_wait3A_37] : memref<2x16384xf32, #tpu.memory_space<vmem>> -> memref<1x16384xf32, #tpu.memory_space<vmem>>
      %dma_wait3A_39 = tpu.memref_squeeze %dma_wait3A_38 : memref<1x16384xf32, #tpu.memory_space<vmem>> -> memref<16384xf32, #tpu.memory_space<vmem>>
      tpu.wait_dma2 semaphore(%dma_wait3A_35 : memref<!tpu.dma_semaphore, #tpu.memory_space<semaphore_mem>>) src(%dma_wait3A_39 : memref<16384xf32, #tpu.memory_space<vmem>>) dst(%dma_wait3A_36 : memref<16384xf32, #tpu.memory_space<hbm>>)
    } else {
    }
    %eq3A = arith.constant 0 : i32
    %eq3A_21 = arith.cmpi eq, %add3A, %eq3A : i32
    %convert_element_type3A_22 = arith.extui %eq3A_21 : i1 to i32
    %cond3A_23 = arith.constant 0 : i32
    %cond3A_24 = arith.cmpi ne, %convert_element_type3A_22, %cond3A_23 : i32
    scf.if %cond3A_24 {
      %dma_start3A = arith.constant 0 : i32
      %dma_start3A_25 = arith.constant 0 : i32
      %dma_start3A_26 = arith.constant 0 : i32
      %dma_start3A_27 = tpu.memref_slice %arg6[%dma_start3A, %dma_start3A_26] : memref<2x16384xf32, #tpu.memory_space<vmem>> -> memref<1x9216xf32, #tpu.memory_space<vmem>>
      %dma_start3A_28 = tpu.memref_squeeze %dma_start3A_27 : memref<1x9216xf32, #tpu.memory_space<vmem>> -> memref<9216xf32, #tpu.memory_space<vmem>>
      %dma_start3A_29 = tpu.memref_slice %arg7[%dma_start3A_25] : memref<2x!tpu.dma_semaphore, #tpu.memory_space<semaphore_mem>> -> memref<1x!tpu.dma_semaphore, #tpu.memory_space<semaphore_mem>>
      %dma_start3A_30 = tpu.memref_squeeze %dma_start3A_29 : memref<1x!tpu.dma_semaphore, #tpu.memory_space<semaphore_mem>> -> memref<!tpu.dma_semaphore, #tpu.memory_space<semaphore_mem>>
      %dma_start3A_31 = arith.constant 0 : i32
      %dma_start3A_32 = tpu.memref_slice %arg6[%dma_start3A, %dma_start3A_31] : memref<2x16384xf32, #tpu.memory_space<vmem>> -> memref<1x9216xf32, #tpu.memory_space<vmem>>
      %dma_start3A_33 = tpu.memref_squeeze %dma_start3A_32 : memref<1x9216xf32, #tpu.memory_space<vmem>> -> memref<9216xf32, #tpu.memory_space<vmem>>
      tpu.enqueue_dma source(%arg3 : memref<9216xf32, #tpu.memory_space<hbm>>) target(%dma_start3A_33 : memref<9216xf32, #tpu.memory_space<vmem>>) target_semaphore(%dma_start3A_30 : memref<!tpu.dma_semaphore, #tpu.memory_space<semaphore_mem>>)
      %dma_wait3A = arith.constant 0 : i32
      %dma_wait3A_34 = arith.constant 0 : i32
      %dma_wait3A_35 = arith.constant 0 : i32
      %dma_wait3A_36 = tpu.memref_slice %arg6[%dma_wait3A, %dma_wait3A_35] : memref<2x16384xf32, #tpu.memory_space<vmem>> -> memref<1x9216xf32, #tpu.memory_space<vmem>>
      %dma_wait3A_37 = tpu.memref_squeeze %dma_wait3A_36 : memref<1x9216xf32, #tpu.memory_space<vmem>> -> memref<9216xf32, #tpu.memory_space<vmem>>
      %dma_wait3A_38 = tpu.memref_slice %arg7[%dma_wait3A_34] : memref<2x!tpu.dma_semaphore, #tpu.memory_space<semaphore_mem>> -> memref<1x!tpu.dma_semaphore, #tpu.memory_space<semaphore_mem>>
      %dma_wait3A_39 = tpu.memref_squeeze %dma_wait3A_38 : memref<1x!tpu.dma_semaphore, #tpu.memory_space<semaphore_mem>> -> memref<!tpu.dma_semaphore, #tpu.memory_space<semaphore_mem>>
      %dma_wait3A_40 = arith.constant 0 : i32
      %dma_wait3A_41 = tpu.memref_slice %arg6[%dma_wait3A, %dma_wait3A_40] : memref<2x16384xf32, #tpu.memory_space<vmem>> -> memref<1x9216xf32, #tpu.memory_space<vmem>>
      %dma_wait3A_42 = tpu.memref_squeeze %dma_wait3A_41 : memref<1x9216xf32, #tpu.memory_space<vmem>> -> memref<9216xf32, #tpu.memory_space<vmem>>
      tpu.wait_dma2 semaphore(%dma_wait3A_39 : memref<!tpu.dma_semaphore, #tpu.memory_space<semaphore_mem>>) src(%arg3 : memref<9216xf32, #tpu.memory_space<hbm>>) dst(%dma_wait3A_42 : memref<9216xf32, #tpu.memory_space<vmem>>)
      %dma_start3A_43 = arith.constant 0 : i32
      %dma_start3A_44 = arith.constant 0 : i32
      %dma_start3A_45 = arith.constant 0 : i32
      %dma_start3A_46 = tpu.memref_slice %arg6[%dma_start3A_43, %dma_start3A_45] : memref<2x16384xf32, #tpu.memory_space<vmem>> -> memref<1x9216xf32, #tpu.memory_space<vmem>>
      %dma_start3A_47 = tpu.memref_squeeze %dma_start3A_46 : memref<1x9216xf32, #tpu.memory_space<vmem>> -> memref<9216xf32, #tpu.memory_space<vmem>>
      %dma_start3A_48 = arith.constant 15990784 : i32
      %dma_start3A_49 = tpu.memref_slice %arg4[%dma_start3A_48] : memref<16000000xf32, #tpu.memory_space<hbm>> -> memref<9216xf32, #tpu.memory_space<hbm>>
      %dma_start3A_50 = tpu.memref_slice %arg8[%dma_start3A_44] : memref<2x!tpu.dma_semaphore, #tpu.memory_space<semaphore_mem>> -> memref<1x!tpu.dma_semaphore, #tpu.memory_space<semaphore_mem>>
      %dma_start3A_51 = tpu.memref_squeeze %dma_start3A_50 : memref<1x!tpu.dma_semaphore, #tpu.memory_space<semaphore_mem>> -> memref<!tpu.dma_semaphore, #tpu.memory_space<semaphore_mem>>
      %dma_start3A_52 = arith.constant 15990784 : i32
      %dma_start3A_53 = tpu.memref_slice %arg4[%dma_start3A_52] : memref<16000000xf32, #tpu.memory_space<hbm>> -> memref<9216xf32, #tpu.memory_space<hbm>>
      %dma_start3A_54 = arith.constant 0 : i32
      %dma_start3A_55 = tpu.memref_slice %arg6[%dma_start3A_43, %dma_start3A_54] : memref<2x16384xf32, #tpu.memory_space<vmem>> -> memref<1x9216xf32, #tpu.memory_space<vmem>>
      %dma_start3A_56 = tpu.memref_squeeze %dma_start3A_55 : memref<1x9216xf32, #tpu.memory_space<vmem>> -> memref<9216xf32, #tpu.memory_space<vmem>>
      tpu.enqueue_dma source(%dma_start3A_56 : memref<9216xf32, #tpu.memory_space<vmem>>) target(%dma_start3A_53 : memref<9216xf32, #tpu.memory_space<hbm>>) target_semaphore(%dma_start3A_51 : memref<!tpu.dma_semaphore, #tpu.memory_space<semaphore_mem>>)
      %dma_wait3A_57 = arith.constant 0 : i32
      %dma_wait3A_58 = arith.constant 0 : i32
      %dma_wait3A_59 = arith.constant 0 : i32
      %dma_wait3A_60 = tpu.memref_slice %arg6[%dma_wait3A_57, %dma_wait3A_59] : memref<2x16384xf32, #tpu.memory_space<vmem>> -> memref<1x9216xf32, #tpu.memory_space<vmem>>
      %dma_wait3A_61 = tpu.memref_squeeze %dma_wait3A_60 : memref<1x9216xf32, #tpu.memory_space<vmem>> -> memref<9216xf32, #tpu.memory_space<vmem>>
      %dma_wait3A_62 = arith.constant 15990784 : i32
      %dma_wait3A_63 = tpu.memref_slice %arg4[%dma_wait3A_62] : memref<16000000xf32, #tpu.memory_space<hbm>> -> memref<9216xf32, #tpu.memory_space<hbm>>
      %dma_wait3A_64 = tpu.memref_slice %arg8[%dma_wait3A_58] : memref<2x!tpu.dma_semaphore, #tpu.memory_space<semaphore_mem>> -> memref<1x!tpu.dma_semaphore, #tpu.memory_space<semaphore_mem>>
      %dma_wait3A_65 = tpu.memref_squeeze %dma_wait3A_64 : memref<1x!tpu.dma_semaphore, #tpu.memory_space<semaphore_mem>> -> memref<!tpu.dma_semaphore, #tpu.memory_space<semaphore_mem>>
      %dma_wait3A_66 = arith.constant 15990784 : i32
      %dma_wait3A_67 = tpu.memref_slice %arg4[%dma_wait3A_66] : memref<16000000xf32, #tpu.memory_space<hbm>> -> memref<9216xf32, #tpu.memory_space<hbm>>
      %dma_wait3A_68 = arith.constant 0 : i32
      %dma_wait3A_69 = tpu.memref_slice %arg6[%dma_wait3A_57, %dma_wait3A_68] : memref<2x16384xf32, #tpu.memory_space<vmem>> -> memref<1x9216xf32, #tpu.memory_space<vmem>>
      %dma_wait3A_70 = tpu.memref_squeeze %dma_wait3A_69 : memref<1x9216xf32, #tpu.memory_space<vmem>> -> memref<9216xf32, #tpu.memory_space<vmem>>
      tpu.wait_dma2 semaphore(%dma_wait3A_65 : memref<!tpu.dma_semaphore, #tpu.memory_space<semaphore_mem>>) src(%dma_wait3A_70 : memref<9216xf32, #tpu.memory_space<vmem>>) dst(%dma_wait3A_67 : memref<9216xf32, #tpu.memory_space<hbm>>)
    } else {
    }
    return
  }
}

</mosaic_0001>

<sc_bundles>
// kernel: kernel.4.cloned.1.call-start
scs
__scs_entry_jumppad:
0x0: {  	(pc) =	sbr.rel $0x88, $3  }
0x1: {  	(tag) =	ssettag $0x0;
	lr =	simm.s32 $0x1  }
0x2: {  	[smem:$0x3F9F] =	sst lr;
	_ =	strace $0xD0000000  }
0x3: {  	_ = 	snop  }
0x4: {  	_ = 	snop  }
0x5: {  	_ = 	snop  }
0x6: {  	_ = 	snop  }
0x7: {  	_ = 	snop  }
__scs_overlays_trampoline_lowered:
0x8: {  	[smem:$0x3FAE] =	sst s0  }
0x9: {  	[smem:$0x3FAF] =	sst s1  }
0xa: {  	[smem:$0x3FB0] =	sst s2  }
0xb: {  	[smem:$0x3FB1] =	sst s3  }
0xc: {  	[smem:$0x3FB2] =	sst s4  }
0xd: {  	[smem:$0x3FB3] =	sst s5  }
0xe: {  	[smem:$0x3FB4] =	sst s6  }
0xf: {  	[smem:$0x3FB5] =	sst s7  }
0x10: {  	[smem:$0x3FB6] =	sst s8  }
0x11: {  	[smem:$0x3FB7] =	sst s9;
	s0 =	simm.s32 @!p0 $0x0  }
0x12: {  	s1 =	sld [smem:$0x3F9D];
	s0 =	simm.s32 @p0 $0x1  }
0x13: {  	[smem:$0x3FB8] =	sst s0;
	s0 =	simm.s32 @!p1 $0x0  }
0x14: {  	s2 =	sld [smem:$0x3F9C];
	s0 =	simm.s32 @p1 $0x1  }
0x15: {  	[smem:$0x3FB9] =	sst s0;
	s0 =	simm.s32 @!p2 $0x0  }
0x16: {  	s3 =	sld [smem:$0x3FDB];
	s0 =	simm.s32 @p2 $0x1  }
0x17: {  	s4 =	simm.s32 $0x1BF5;
	[smem:$0x3FBB] =	sst s0  }
0x18: {  	s0 =	sld [smem:$0x3F9E];
	_ =	swait.ge [sflag:s4], $0x0  }
0x19: {  	s7 =	sld [smem:$0x3F9F]  }
0x1a: {  	s8 =	sadd.s32 $0xFFFFE003, lr  }
0x1b: {  	s9 =	sadd.s32 $0xFFFFFEF7, lr;
	s5 =	simm.s32 $0xFFFFFFFF;
	p2 =	slt.u32 s8, $0xFFFFF086  }
0x1c: {  	p1 =	slt.u32 s9, $0xF7A;
	s5 =	simm.s32 @!p2 $0x0  }
0x1d: {  	s5 =	simm.s32 @p1 $0x1;
	p0 =	seq.s32 s7, s2  }
0x1e: {  	s7 =	smul.u32 @!p0 $0xF7A, s2;
	p2 =	seq.s32 @!p0 s5, $0x0  }
0x1f: {  	s9 =	smul.u32 $0xF7A, s1;
	s8 =	simm.s32 @!p0 $0x1BF5;
	p2 =	por !p2, p0  }
0x20: {  	[sflag:s8] =	ssyncset.s32 @!p0 $0xFFFFF086;
	s6 =	sadd.s32 @!p0 s3, s7;
	s7 =	simm.s32 @!p0 $0x108  }
0x21: {  	s3 =	sadd.s32 s3, s9;
	s6 =	sadd.s32 @!p0 $0x88, s6;
	s7 =	simm.s32 @p2 $0x1082  }
0x22: {  	[simem:s7], [sflag:s8] =	dma.local @!p0 [hbm:s6], $0xF7A  }
0x23: {  	s9 =	sor.u32 $0xD0000000, s2;
	s6 =	simm.s32 $0x108;
	_ =	swait.ge @!p0 [sflag:s8], $0x0  }
0x24: {  	s3 =	sadd.s32 $0x88, s3;
	s6 =	simm.s32 @!p1 $0x1082;
	[sflag:s4] =	ssyncset.s32 $0xFFFFF086  }
0x25: {  	[simem:s6], [sflag:s4] =	dma.local [hbm:s3], $0xF7A  }
0x26: {  	[smem:$0x3F9F] =	sst s1;
	(tag) =	ssettag s2;
	_ =	strace s9  }
0x27: {  	s1 =	sld [smem:$0x3FAF]  }
0x28: {  	s2 =	sld [smem:$0x3FB0]  }
0x29: {  	s4 =	sld [smem:$0x3FB2]  }
0x2a: {  	p0 =	seq.s32 s5, $0x0;
	s5 =	sld [smem:$0x3FB3]  }
0x2b: {  	s6 =	sld [smem:$0x3FB4]  }
0x2c: {  	s7 =	sld [smem:$0x3FB5]  }
0x2d: {  	s3 =	simm.s32 $0x108;
	s8 =	sld [smem:$0x3FB6]  }
0x2e: {  	s3 =	simm.s32 @!p0 $0x1082;
	s9 =	sld [smem:$0x3FB7]  }
0x2f: {  	lr =	sadd.s32 s0, s3;
	s0 =	sld [smem:$0x3FAE]  }
0x30: {  	s3 =	sld [smem:$0x3FB1]  }
0x31: {  	[smem:$0x3FBA] =	sst s10  }
0x32: {  	s10 =	sld [smem:$0x3FB8];
	_ =	sdelay $0x3  }
0x33: {  	p0 =	seq.s32 s10, $0x1;
	s10 =	sld [smem:$0x3FBA];
	_ =	sdelay $0x3  }
0x34: {  	[smem:$0x3FBA] =	sst s10  }
0x35: {  	s10 =	sld [smem:$0x3FB9];
	_ =	sdelay $0x3  }
0x36: {  	p1 =	seq.s32 s10, $0x1;
	s10 =	sld [smem:$0x3FBA];
	_ =	sdelay $0x3  }
0x37: {  	[smem:$0x3FBA] =	sst s10  }
0x38: {  	s10 =	sld [smem:$0x3FBB]  }
0x39: {  	_ = 	snop;
	(pc) =	sbr.ind lr, $3  }
0x3a: {  	_ = 	snop  }
0x3b: {  	_ = 	snop  }
0x3c: {  	p2 =	seq.s32 s10, $0x1;
	s10 =	sld [smem:$0x3FBA]  }
0x3d: {  	_ =	shalt  }
0x3e: {  	_ =	shalt  }
0x3f: {  	_ =	shalt  }
0x40: {  	_ =	shalt  }
0x41: {  	_ =	shalt  }
0x42: {  	_ =	shalt  }
0x43: {  	_ =	shalt  }
0x44: {  	_ =	shalt  }
0x45: {  	_ =	shalt  }
0x46: {  	_ =	shalt  }
0x47: {  	_ =	shalt  }
0x48: {  	_ =	shalt  }
0x49: {  	_ =	shalt  }
0x4a: {  	_ =	shalt  }
0x4b: {  	_ =	shalt  }
0x4c: {  	_ =	shalt  }
0x4d: {  	_ =	shalt  }
0x4e: {  	_ =	shalt  }
0x4f: {  	_ =	shalt  }
0x50: {  	_ =	shalt  }
0x51: {  	_ =	shalt  }
0x52: {  	_ =	shalt  }
0x53: {  	_ =	shalt  }
0x54: {  	_ =	shalt  }
0x55: {  	_ =	shalt  }
0x56: {  	_ =	shalt  }
0x57: {  	_ =	shalt  }
0x58: {  	_ =	shalt  }
0x59: {  	_ =	shalt  }
0x5a: {  	_ =	shalt  }
0x5b: {  	_ =	shalt  }
0x5c: {  	_ =	shalt  }
0x5d: {  	_ =	shalt  }
0x5e: {  	_ =	shalt  }
0x5f: {  	_ =	shalt  }
0x60: {  	_ =	shalt  }
0x61: {  	_ =	shalt  }
0x62: {  	_ =	shalt  }
0x63: {  	_ =	shalt  }
0x64: {  	_ =	shalt  }
0x65: {  	_ =	shalt  }
0x66: {  	_ =	shalt  }
0x67: {  	_ =	shalt  }
0x68: {  	_ =	shalt  }
0x69: {  	_ =	shalt  }
0x6a: {  	_ =	shalt  }
0x6b: {  	_ =	shalt  }
0x6c: {  	_ =	shalt  }
0x6d: {  	_ =	shalt  }
0x6e: {  	_ =	shalt  }
0x6f: {  	_ =	shalt  }
0x70: {  	_ =	shalt  }
0x71: {  	_ =	shalt  }
0x72: {  	_ =	shalt  }
0x73: {  	_ =	shalt  }
0x74: {  	_ =	shalt  }
0x75: {  	_ =	shalt  }
0x76: {  	_ =	shalt  }
0x77: {  	_ =	shalt  }
0x78: {  	_ =	shalt  }
0x79: {  	_ =	shalt  }
0x7a: {  	_ =	shalt  }
0x7b: {  	_ =	shalt  }
0x7c: {  	_ =	shalt  }
0x7d: {  	_ =	shalt  }
0x7e: {  	_ =	shalt  }
0x7f: {  	_ =	shalt  }
0x80: {  	_ =	shalt  }
0x81: {  	_ =	shalt  }
0x82: {  	_ =	shalt  }
0x83: {  	_ =	shalt  }
0x84: {  	_ =	shalt  }
0x85: {  	_ =	shalt  }
0x86: {  	_ =	shalt  }
0x87: {  	_ =	shalt  }
.Lfunc_end0:
.L_simem_size_0:
called_computation_lowered:
.L_overlay_start_0:
0x88: {  	s2 =	sld [smem:$0x3FD9]  }
0x89: {  	s3 =	sld [smem:$0x3FFE];
	_ =	sdelay $0x1  }
0x8a: {  	s1 =	srdreg.scid  }
0x8b: {  	s0 =	sand.u32 $0x1, s1  }
0x8c: {  	s17 =	sshll.u32 s0, $0xA;
	s2 =	sadd.s32 s3, s2  }
0x8d: {  	s2 =	sadd.s32 s2, s17  }
0x8e: {  	[smem:$0x3FC6] =	sst s2  }
0x8f: {  	_ = 	snop  }
0x90: {  	s2 =	sld [smem:$0x3FC8]  }
0x91: {  	s18 =	sld [smem:$0x3FD0];
	(tm) =	ssettm $0x1  }
0x92: {  	s4 =	sld [smem:$0x3FFB];
	_ =	sdelay $0x3  }
0x93: {  	_ =	strace s4  }
0x94: {  	s4 =	sld [smem:$0x3FFC];
	_ =	sdelay $0x3  }
0x95: {  	_ =	strace s4  }
0x96: {  	s4 =	sld [smem:$0x3FFD];
	_ =	sdelay $0x3  }
0x97: {  	_ =	strace s4  }
0x98: {  	_ =	strace $0x8FFFFFFF  }
0x99: {  	s19 =	sld [smem:$0x3FDB];
	_ =	sdelay $0x1  }
0x9a: {  	s5 =	simm.s32 $_scs_section_size  }
0x9b: {  	s6 =	simm.s32 $_size__tile_overlayer_lowered;
	s7 =	simm.s32 $_tile_overlayer_lowered  }
0x9c: {  	s22 =	simm.s32 $0x1BFF;
	s21 =	sshll.u32 s7, $0x1;
	s4 =	sadd.s32 s5, s19  }
0x9d: {  	s8 =	simm.s32 $0x0;
	s20 =	sshll.u32 s6, $0x1;
	s6 =	sadd.s32 s21, s4  }
0x9e: {  	[timem:s8], [sflag:s22] =	dma.local [hbm:s6], s20  }
0x9f: {  	_ =	swait.ge [sflag:s22], s20  }
0xa0: {  	s5 =	ssub.s32 $0x0, s20;
	[sflag:s22] =	ssyncset.done $0x0  }
0xa1: {  	[sflag:s22] =	ssyncadd.s32 s5;
	_ =	sdelay $0x1  }
0xa2: {  	s23 =	simm.s32 $0x1B8B  }
0xa3: {  	_ =	swait.ge [sflag:s23], $0x1  }
0xa4: {  	[sflag:s23] =	ssyncset.done $0x0  }
0xa5: {  	s25 =	simm.s32 $0x1B8E;
	s24 =	sld [smem:$0x3FFE];
	[sflag:s23] =	ssyncadd.s32 $0xFFFFFFFF  }
0xa6: {  	s26 =	simm.s32 $execute0_lowered;
	[smem:$0x3FD2] =	sst s25  }
0xa7: {  	s6 =	sshll.u32 s26, $0x1;
	_ =	strace $0x80000046;
	[dreg:$0x1] =	wrdreg $0xFFFFFFFF  }
0xa8: {  	s28 =	simm.s32 $_size_execute0_lowered;
	s4 =	sadd.s32 s4, s6;
	[dreg:$0x0] =	wrdreg $0x0  }
0xa9: {  	s6 =	sshll.u32 s28, $0x1;
	[dreg:$0x2] =	wrdreg s4  }
0xaa: {  	[dreg:$0x3] =	wrdreg s6  }
0xab: {  	[dreg:$0x4] =	wrdreg $0xC0  }
0xac: {  	_ =	task [dreg:s8], $0x5FFFF  }
0xad: {  	[dreg:$0x1] =	wrdreg $0xFFFFFFFF  }
0xae: {  	[dreg:$0x0] =	wrdreg $0x60  }
0xaf: {  	[dreg:$0x2] =	wrdreg s2  }
0xb0: {  	[dreg:$0x3] =	wrdreg s18  }
0xb1: {  	[dreg:$0x4] =	wrdreg s24  }
0xb2: {  	[dreg:$0x5] =	wrdreg $0x9  }
0xb3: {  	_ =	task.clear_ibuf [dreg:s8], $0x6FFFF;
	_ =	strace $0x90000046  }
0xb4: {  	s29 =	simm.s32 $0x9;
	_ =	strace $0x80000048  }
0xb5: {  	_ =	swait.ge [sflag:s29], $0x1  }
0xb6: {  	[sflag:s29] =	ssyncadd.s32 $0xFFFFFFFF  }
0xb7: {  	_ =	strace $0x90000048  }
0xb8: {  	_ =	sfence  }
0xb9: {  	s30 =	sld [smem:$0x0];
	_ =	sdelay $0x2  }
0xba: {  	s31 =	sshll.u32 s1, $0xD;
	s1 =	sshrl.u32 s1, $0x2  }
0xbb: {  	s3 =	sand.u32 $0x4000, s31;
	s1 =	sadd.s32 s1, s30  }
0xbc: {  	s0 =	sor.u32 s3, s0;
	s1 =	sshll.u32 s1, $0x11  }
0xbd: {  	s0 =	sor.u32 s1, s0  }
0xbe: {  	s0 =	sadd.s32 $0x8F2B, s0  }
0xbf: {  	[sflag:s0] =	ssyncadd.remote.s32 $0x1  }
0xc0: {  	_ =	sfence.sel $0xFFFF  }
0xc1: {  	[dreg:$0x0] =	wrdreg $0xFFFFFFFF;
	(pc) =	sbr.abs _section_cstart, $3  }
0xc2: {  	[dreg:$0x1] =	wrdreg $0xFFFFFFFF  }
0xc3: {  	_ =	task.clear_ibuf [dreg:s8], $0x2FFFF;
	_ =	strace $0x9FFFFFFF  }
0xc4: {  	(tm) =	ssettm $0x7FFFFFFF  }
0xc5: {  	_ =	shalt  }
tec
execute0_lowered:
.L_overlay_start_1:
0x0: {  	(tag) =	ssettag $0x1  }
0x1: {  	v0 =	vimm.s32 $0x2380;
	vm0 =	vcmask $0x300  }
0x2: {  	vm14 =	vcmask $0x704;
	v0 =	vsel vm0, $0x0, v0  }
0x3: {  	vm15 =	vcmask $0xB08;
	v0 =	vsel vm14, $0x80, v0  }
0x4: {  	vm4 =	vcmask $0xF0C;
	v0 =	vsel vm15, $0x100, v0  }
0x5: {  	vm5 =	vcmask $0x1310;
	v0 =	vsel vm4, $0x180, v0  }
0x6: {  	vm6 =	vcmask $0x1714;
	s0 =	rddreg [dreg:$0x0];
	v0 =	vsel vm5, $0x200, v0  }
0x7: {  	vm7 =	vcmask $0x1B18;
	s1 =	rddreg [dreg:$0x1];
	v0 =	vsel vm6, $0x280, v0  }
0x8: {  	vm8 =	vcmask $0x1F1C;
	s8 =	rddreg [dreg:$0x2];
	v0 =	vsel vm7, $0x300, v0  }
0x9: {  	s4 =	srdreg.scid;
	vm9 =	vcmask $0x2320;
	s2 =	rddreg [dreg:$0x3];
	v0 =	vsel vm8, $0x380, v0  }
0xa: {  	s3 =	simm.s32 $0x0;
	vm10 =	vcmask $0x2724;
	s11 =	simm.s32 $0x4;
	s12 =	simm.s32 $0x3;
	v0 =	vsel vm9, $0x2000, v0  }
0xb: {  	vm11 =	vcmask $0x2B28;
	s13 =	simm.s32 $0x0;
	s6 =	sand.u32 $0x1, s4;
	[smem:$0x7FF] =	sst s3;
	v0 =	vsel vm10, $0x2080, v0  }
.Ltmp0:
0xc: {  	vm12 =	vcmask $0x2F2C;
	s4 =	stileid.u32;
	s5 =	sadd.s32 $0xA00, s8;
	v0 =	vsel vm11, $0x2100, v0;
	(pc) =	sbr.rel .LBB2_1-.Ltmp0, $4  }
0xd: {  	vm13 =	vcmask $0x3330;
	s8 =	sadd.s32 $0x1E8A00, s8;
	s7 =	ssub.s32 $0x2, s6;
	_ =	strace $0x80000047;
	v0 =	vsel vm12, $0x2180, v0  }
0xe: {  	s10 =	sshll.u32 s4, $0x1;
	vm14 =	vcmask $0x3734;
	p0 =	sgt.u32 s4, $0x7;
	s9 =	sshrl.u32 s7, $0x1;
	v0 =	vsel vm13, $0x2200, v0  }
0xf: {  	s6 =	sor.u32 s6, s10;
	s10 =	simm.s32 $0x1;
	vm15 =	vcmask $0x3B38;
	s9 =	ssub.s32 s7, s9;
	v0 =	vsel vm14, $0x2280, v0  }
0x10: {  	s7 =	sadd.s32 $0xF4280, s0;
	p1 =	sne.s32 s6, $0x0;
	s9 =	smax.u32 s9, $0x1;
	v0 =	vsel vm15, $0x2300, v0  }
.LBB2_9:
0x11: {  	_ =	swait.ge [sflag:s11], $0x4000  }
.Ltmp1:
0x12: {  	[sflag:s11] =	ssyncset.done $0x0;
	(pc) =	sbr.rel @!p1 .LBB2_10-.Ltmp1, $4  }
0x13: {  	s14 =	simm.s32 @!p0 $0x3;
	[sflag:s11] =	ssyncadd.s32 $0xFFFFC000  }
0x14: {  	_ =	swait.ge @!p0 [sflag:s14], $0x4000  }
0x15: {  	[sflag:s14] =	ssyncset.done @!p0 $0x0  }
0x16: {  	[sflag:s14] =	ssyncadd.s32 @!p0 $0xFFFFC000  }
.LBB2_15:
0x17: {  	s13 =	sadd.s32 $0x1, s13  }
0x18: {  	p2 =	sne.s32 s13, s9  }
.Ltmp2:
0x19: {  	_ = 	snop;
	(pc) =	sbr.rel @!p2 .LBB2_16-.Ltmp2, $1  }
0x1a: {  	_ =	sdelay $0x3  }
.LBB2_1:
.Ltmp3:
0x1b: {  	(pc) =	sbr.rel .LBB2_2-.Ltmp3, $2  }
0x1c: {  	_ =	sdelay $0x2  }
0x1d: {  	p2 =	por $0x1, $0x1;
	s14 =	simm.s32 $0x0  }
.LBB2_8:
0x1e: {  	s14 =	sadd.s32 $0x1, s14  }
0x1f: {  	p3 =	sne.s32 s14, $0x20  }
.Ltmp4:
0x20: {  	_ = 	snop;
	(pc) =	sbr.rel @!p3 .LBB2_9-.Ltmp4, $2  }
0x21: {  	_ =	sdelay $0x2  }
0x22: {  	p2 =	por !p2, !p2  }
.LBB2_2:
0x23: {  	s15 =	sshll.u32 s14, $0x5  }
0x24: {  	s15 =	sor.u32 s6, s15  }
0x25: {  	p3 =	sgt.u32 s15, $0x3CF  }
0x26: {  	s16 =	sand.u32 @!p3 $0x1, s14;
	s15 =	sshll.u32 @!p3 s15, $0xA;
	s19 =	simm.s32 @!p3 $0x0  }
0x27: {  	s17 =	sadd.s32 @!p3 $0x1, s16;
	s16 =	sshll.u32 @!p3 s16, $0xE;
	s18 =	sadd.s32 @!p3 s0, s15  }
0x28: {  	[tilespmem:s16], [sflag:s17] =	stream.linear.gather @!p3 [hbm4b:s18+s19], $0x2000, $0x38;
	[tilespmem:$0x10000] =	vst v63  }
0x29: {  	s15 =	sadd.s32 @!p3 s15, s7;
	s16 =	sor.u32 @!p3 $0x2000, s16  }
0x2a: {  	[tilespmem:s16], [sflag:s17] =	stream.linear.gather @!p3 [hbm4b:s15+s19], $0x2000, $0x38;
	[tilespmem:$0x10000] =	vst v63  }
0x2b: {  	s16 =	sadd.s32 $0xFFFFFFFF, s14  }
0x2c: {  	s31 =	sshll.u32 s16, $0x5  }
0x2d: {  	p3 =	sne.s32 s14, $0x0;
	s15 =	sor.u32 s6, s31  }
0x2e: {  	p4 =	sgt.s32 @p3 s15, $0x3CF  }
0x2f: {  	p3 =	por !p3, p4  }
.Ltmp5:
0x30: {  	_ = 	snop;
	(pc) =	sbr.rel @p3 .LBB2_8-.Ltmp5, $1  }
0x31: {  	_ =	sdelay $0x3  }
0x32: {  	s16 =	sand.u32 $0x1, s16  }
0x33: {  	s18 =	simm.s32 $0x0;
	s17 =	sadd.s32 $0x1, s16  }
0x34: {  	v1 =	vmov s18;
	_ =	swait.ge [sflag:s17], $0x2000  }
0x35: {  	v2 =	vshll.u32 v1, $0x3;
	[sflag:s17] =	ssyncset.done $0x0  }
0x36: {  	p3 =	slt.u32 s14, $0x3;
	v1 =	vand.u32 $0x7F, v1;
	v2 =	vand.u32 $0x1C00, v2;
	[sflag:s17] =	ssyncadd.s32 $0xFFFFE000  }
0x37: {  	s19 =	sxor.u32 @!p3 $0xFFFFFFFF, s14;
	v1 =	vor.u32 v2, v1;
	_ =	swait.ge [sflag:s17], $0x2000  }
0x38: {  	s20 =	simm.s32 $0x1;
	s19 =	sand.u32 @!p3 $0x1, s19;
	v1 =	vor.u32 v0, v1;
	[sflag:s17] =	ssyncset.done $0x0  }
0x39: {  	s30 =	simm.s32 $0x1;
	s19 =	sadd.s32 @!p3 $0x3, s19;
	[sflag:s17] =	ssyncadd.s32 $0xFFFFE000  }
0x3a: {  	s20 =	simm.s32 @!p2 $0x0;
	v2 =	vmov s30;
	_ =	swait.ge @!p3 [sflag:s19], $0x4000  }
0x3b: {  	s20 =	sshll.u32 s20, $0x7;
	v3 =	vshll.u32 v2, $0x3;
	[sflag:s19] =	ssyncset.done @!p3 $0x0  }
0x3c: {  	v2 =	vand.u32 $0x7F, v2;
	v3 =	vand.u32 $0x1C00, v3;
	s17 =	sor.u32 $0x8000, s20;
	s20 =	sshll.u32 s16, $0xE;
	[sflag:s19] =	ssyncadd.s32 @!p3 $0xFFFFC000  }
0x3d: {  	v3 =	vor.u32 v3, v2;
	v2 =	vld.idx.msk [tilespmem:v1+s20+$0x0], $0xffff  }
0x3e: {  	s31 =	sshll.u32 s16, $0x7;
	v1 =	vor.u32 v0, v3  }
0x3f: {  	s21 =	sand.u32 $0x7F00, s18;
	s19 =	sor.u32 $0x8000, s31  }
0x40: {  	s22 =	simm.s32 $0x2;
	s23 =	sand.u32 $0x70, s18;
	s21 =	sadd.s32 s21, s19  }
0x41: {  	v3 =	vmov s22;
	s22 =	simm.s32 $0x3;
	s23 =	sadd.s32 s23, s21;
	s21 =	simm.s32 $0x0  }
.LBB2_4:
0x42: {  	p3 =	sne.s32 s22, $0x3FF;
	v4 =	vshll.u32 v3, $0x3;
	[tilespmem:s23+$0x0] =	vst v2  }
0x43: {  	v3 =	vand.u32 $0x7F, v3;
	v4 =	vand.u32 $0x1C00, v4;
	v2 =	vld.idx.msk [tilespmem:v1+s20+$0x0], $0xffff  }
.Ltmp6:
0x44: {  	v1 =	vor.u32 v4, v3;
	(pc) =	sbr.rel @p3 .LBB2_4-.Ltmp6, $4  }
0x45: {  	s18 =	sadd.s32 $0x20, s18;
	v1 =	vor.u32 v0, v1  }
0x46: {  	s21 =	sadd.s32 $0x10, s21;
	s23 =	sand.u32 $0x7F00, s18  }
0x47: {  	s24 =	sand.u32 $0x70, s21;
	s23 =	sadd.s32 s23, s19  }
0x48: {  	v3 =	vmov s22;
	s22 =	sadd.s32 $0x1, s22;
	s23 =	sadd.s32 s24, s23  }
0x49: {  	_ =	sdelay $0x1  }
0x4a: {  	v4 =	vshll.u32 v3, $0x3  }
0x4b: {  	[tilespmem:s23+$0x0] =	vst v2;
	v2 =	vand.u32 $0x7F, v3;
	v3 =	vand.u32 $0x1C00, v4  }
0x4c: {  	v1 =	vld.idx.msk [tilespmem:v1+s20+$0x0], $0xffff;
	v2 =	vor.u32 v3, v2  }
0x4d: {  	s18 =	sadd.s32 $0x20, s18;
	v2 =	vor.u32 v0, v2  }
0x4e: {  	s21 =	sadd.s32 $0x10, s21;
	s22 =	sand.u32 $0x7F00, s18  }
0x4f: {  	s29 =	sand.u32 $0x70, s21;
	s22 =	sadd.s32 s22, s19  }
0x50: {  	s22 =	sadd.s32 s29, s22  }
0x51: {  	[tilespmem:s22+$0x0] =	vst v1  }
0x52: {  	v1 =	vld.idx.msk [tilespmem:v2+s20+$0x0], $0xffff  }
0x53: {  	s18 =	sadd.s32 $0x20, s18  }
0x54: {  	s15 =	sshll.u32 s15, $0xB;
	s30 =	sadd.s32 $0x10, s21;
	s18 =	sand.u32 $0x7F00, s18  }
0x55: {  	s31 =	sand.u32 $0x1FFFF800, s15;
	s18 =	sadd.s32 s18, s19;
	s20 =	sand.u32 $0x70, s30  }
0x56: {  	s15 =	sadd.s32 $0x3, s16;
	s16 =	sadd.s32 s5, s31;
	s18 =	sadd.s32 s20, s18  }
0x57: {  	s19 =	sadd.s32 $0x100, s17;
	s20 =	sadd.s32 $0x0, s16;
	[tilespmem:s18+$0x0] =	vst v1;
	s18 =	simm.s32 $0x10  }
.LBB2_6:
0x58: {  	[hbm4b:s20+s3] =	stream.linear.scatter [tilespmem:s17], [sflag:s15], $0x80, $0x38;
	[tilespmem:$0x10000] =	vst v63  }
0x59: {  	s20 =	smov.u32 s18;
	s17 =	smov.u32 s19;
	p3 =	sne.s32 s18, $0x7F0  }
.Ltmp7:
0x5a: {  	s18 =	sadd.s32 $0x10, s18;
	(pc) =	sbr.rel @p3 .LBB2_6-.Ltmp7, $2  }
0x5b: {  	_ =	sdelay $0x2  }
0x5c: {  	s19 =	sadd.s32 $0x100, s19;
	s20 =	sadd.s32 s20, s16  }
.Ltmp8:
0x5d: {  	(pc) =	sbr.rel .LBB2_8-.Ltmp8, $2  }
0x5e: {  	_ =	sdelay $0x2  }
0x5f: {  	[hbm4b:s20+s3] =	stream.linear.scatter [tilespmem:s17], [sflag:s15], $0x80, $0x38;
	[tilespmem:$0x10000] =	vst v63  }
.LBB2_10:
0x60: {  	s14 =	simm.s32 $0x8000  }
0x61: {  	s15 =	simm.s32 $0x10;
	s17 =	sadd.s32 $0x0, s1;
	s16 =	simm.s32 $0x8100  }
.LBB2_11:
0x62: {  	[tilespmem:s14], [sflag:$0x1] =	stream.linear.gather [hbm4b:s17+s3], $0x80, $0x38;
	[tilespmem:$0x10000] =	vst v63  }
0x63: {  	s17 =	smov.u32 s15;
	s14 =	smov.u32 s16;
	p2 =	sne.s32 s15, $0x470  }
.Ltmp9:
0x64: {  	s15 =	sadd.s32 $0x10, s15;
	(pc) =	sbr.rel @p2 .LBB2_11-.Ltmp9, $2  }
0x65: {  	_ =	sdelay $0x2  }
0x66: {  	s16 =	sadd.s32 $0x100, s16;
	s17 =	sadd.s32 s17, s1  }
0x67: {  	[tilespmem:s14], [sflag:$0x1] =	stream.linear.gather [hbm4b:s17+s3], $0x80, $0x38;
	[tilespmem:$0x10000] =	vst v63  }
0x68: {  	_ =	swait.ge [sflag:s10], $0x2400  }
0x69: {  	s14 =	simm.s32 $0x8000;
	s15 =	simm.s32 $0x10;
	[sflag:s10] =	ssyncset.done $0x0  }
0x6a: {  	s17 =	sadd.s32 $0x0, s8;
	s16 =	simm.s32 $0x8100;
	[sflag:s10] =	ssyncadd.s32 $0xFFFFDC00  }
.LBB2_13:
0x6b: {  	[hbm4b:s17+s3] =	stream.linear.scatter [tilespmem:s14], [sflag:$0x3], $0x80, $0x38;
	[tilespmem:$0x10000] =	vst v63  }
0x6c: {  	s17 =	smov.u32 s15;
	s14 =	smov.u32 s16;
	p2 =	sne.s32 s15, $0x470  }
.Ltmp10:
0x6d: {  	s15 =	sadd.s32 $0x10, s15;
	(pc) =	sbr.rel @p2 .LBB2_13-.Ltmp10, $2  }
0x6e: {  	_ =	sdelay $0x2  }
0x6f: {  	s16 =	sadd.s32 $0x100, s16;
	s17 =	sadd.s32 s17, s8  }
.Ltmp11:
0x70: {  	(pc) =	sbr.rel .LBB2_15-.Ltmp11, $4  }
0x71: {  	[hbm4b:s17+s3] =	stream.linear.scatter [tilespmem:s14], [sflag:$0x3], $0x80, $0x38;
	[tilespmem:$0x10000] =	vst v63  }
0x72: {  	_ =	swait.ge [sflag:s12], $0x2400  }
0x73: {  	[sflag:s12] =	ssyncset.done $0x0  }
0x74: {  	[sflag:s12] =	ssyncadd.s32 $0xFFFFDC00  }
.LBB2_16:
0x75: {  	_ =	sfence.sel $0x180000  }
0x76: {  	[bflag:$0x0] =	sbarrier.arrive $0xFFFF  }
0x77: {  	p0 =	sne.s32 s4, $0x0;
	_ =	strace $0x90000047  }
0x78: {  	s0 =	sadd.s32 @!p0 $0x100000, s2;
	[bflag:$0x2] =	sbarrier.arrive $0xFFFF  }
0x79: {  	[sflag:s0] =	ssyncadd.tile.s32 @!p0 $0x1;
	_ =	shalt  }
.Lfunc_end2:
_tile_overlayer_lowered:
.L_overlay_start_2:
0x7a: {  	(tag) =	ssettag $0x2  }
0x7b: {  	s0 =	rddreg [dreg:$0x0];
	s2 =	stileid.u32  }
0x7c: {  	s1 =	rddreg [dreg:$0x1];
	p0 =	sne.s32 s2, $0x0  }
0x7d: {  	s3 =	rddreg [dreg:$0x2];
	[bflag:$0x3] =	sbarrier.arrive $0xFFFF;
	s2 =	simm.s32 @!p0 $0x1C05  }
0x7e: {  	[timem:s3], [sflag:s2] =	dma.local @!p0 [hbm:s0], s1  }
0x7f: {  	s0 =	simm.s32 @!p0 $0x5  }
0x80: {  	_ =	swait.ge @!p0 [sflag:s0], s1  }
0x81: {  	s1 =	ssub.s32 @!p0 $0x0, s1;
	[sflag:s0] =	ssyncset.done @!p0 $0x0  }
0x82: {  	[sflag:s0] =	ssyncadd.s32 @!p0 s1  }
0x83: {  	[bflag:$0x3] =	sbarrier.arrive $0xFFFF  }
0x84: {  	_ =	shalt  }

// kernel: kernel.7.cloned.1.call-start
scs
__scs_entry_jumppad:
0x0: {  	(pc) =	sbr.rel $0x88, $3  }
0x1: {  	(tag) =	ssettag $0x0;
	lr =	simm.s32 $0x1  }
0x2: {  	[smem:$0x3F9F] =	sst lr;
	_ =	strace $0xD0000000  }
0x3: {  	_ = 	snop  }
0x4: {  	_ = 	snop  }
0x5: {  	_ = 	snop  }
0x6: {  	_ = 	snop  }
0x7: {  	_ = 	snop  }
__scs_overlays_trampoline_lowered:
0x8: {  	[smem:$0x3FAE] =	sst s0  }
0x9: {  	[smem:$0x3FAF] =	sst s1  }
0xa: {  	[smem:$0x3FB0] =	sst s2  }
0xb: {  	[smem:$0x3FB1] =	sst s3  }
0xc: {  	[smem:$0x3FB2] =	sst s4  }
0xd: {  	[smem:$0x3FB3] =	sst s5  }
0xe: {  	[smem:$0x3FB4] =	sst s6  }
0xf: {  	[smem:$0x3FB5] =	sst s7  }
0x10: {  	[smem:$0x3FB6] =	sst s8  }
0x11: {  	[smem:$0x3FB7] =	sst s9;
	s0 =	simm.s32 @!p0 $0x0  }
0x12: {  	s1 =	sld [smem:$0x3F9D];
	s0 =	simm.s32 @p0 $0x1  }
0x13: {  	[smem:$0x3FB8] =	sst s0;
	s0 =	simm.s32 @!p1 $0x0  }
0x14: {  	s2 =	sld [smem:$0x3F9C];
	s0 =	simm.s32 @p1 $0x1  }
0x15: {  	[smem:$0x3FB9] =	sst s0;
	s0 =	simm.s32 @!p2 $0x0  }
0x16: {  	s3 =	sld [smem:$0x3FDB];
	s0 =	simm.s32 @p2 $0x1  }
0x17: {  	s4 =	simm.s32 $0x1BF5;
	[smem:$0x3FBB] =	sst s0  }
0x18: {  	s0 =	sld [smem:$0x3F9E];
	_ =	swait.ge [sflag:s4], $0x0  }
0x19: {  	s7 =	sld [smem:$0x3F9F]  }
0x1a: {  	s8 =	sadd.s32 $0xFFFFE003, lr  }
0x1b: {  	s9 =	sadd.s32 $0xFFFFFEF7, lr;
	s5 =	simm.s32 $0xFFFFFFFF;
	p2 =	slt.u32 s8, $0xFFFFF086  }
0x1c: {  	p1 =	slt.u32 s9, $0xF7A;
	s5 =	simm.s32 @!p2 $0x0  }
0x1d: {  	s5 =	simm.s32 @p1 $0x1;
	p0 =	seq.s32 s7, s2  }
0x1e: {  	s7 =	smul.u32 @!p0 $0xF7A, s2;
	p2 =	seq.s32 @!p0 s5, $0x0  }
0x1f: {  	s9 =	smul.u32 $0xF7A, s1;
	s8 =	simm.s32 @!p0 $0x1BF5;
	p2 =	por !p2, p0  }
0x20: {  	[sflag:s8] =	ssyncset.s32 @!p0 $0xFFFFF086;
	s6 =	sadd.s32 @!p0 s3, s7;
	s7 =	simm.s32 @!p0 $0x108  }
0x21: {  	s3 =	sadd.s32 s3, s9;
	s6 =	sadd.s32 @!p0 $0x88, s6;
	s7 =	simm.s32 @p2 $0x1082  }
0x22: {  	[simem:s7], [sflag:s8] =	dma.local @!p0 [hbm:s6], $0xF7A  }
0x23: {  	s9 =	sor.u32 $0xD0000000, s2;
	s6 =	simm.s32 $0x108;
	_ =	swait.ge @!p0 [sflag:s8], $0x0  }
0x24: {  	s3 =	sadd.s32 $0x88, s3;
	s6 =	simm.s32 @!p1 $0x1082;
	[sflag:s4] =	ssyncset.s32 $0xFFFFF086  }
0x25: {  	[simem:s6], [sflag:s4] =	dma.local [hbm:s3], $0xF7A  }
0x26: {  	[smem:$0x3F9F] =	sst s1;
	(tag) =	ssettag s2;
	_ =	strace s9  }
0x27: {  	s1 =	sld [smem:$0x3FAF]  }
0x28: {  	s2 =	sld [smem:$0x3FB0]  }
0x29: {  	s4 =	sld [smem:$0x3FB2]  }
0x2a: {  	p0 =	seq.s32 s5, $0x0;
	s5 =	sld [smem:$0x3FB3]  }
0x2b: {  	s6 =	sld [smem:$0x3FB4]  }
0x2c: {  	s7 =	sld [smem:$0x3FB5]  }
0x2d: {  	s3 =	simm.s32 $0x108;
	s8 =	sld [smem:$0x3FB6]  }
0x2e: {  	s3 =	simm.s32 @!p0 $0x1082;
	s9 =	sld [smem:$0x3FB7]  }
0x2f: {  	lr =	sadd.s32 s0, s3;
	s0 =	sld [smem:$0x3FAE]  }
0x30: {  	s3 =	sld [smem:$0x3FB1]  }
0x31: {  	[smem:$0x3FBA] =	sst s10  }
0x32: {  	s10 =	sld [smem:$0x3FB8];
	_ =	sdelay $0x3  }
0x33: {  	p0 =	seq.s32 s10, $0x1;
	s10 =	sld [smem:$0x3FBA];
	_ =	sdelay $0x3  }
0x34: {  	[smem:$0x3FBA] =	sst s10  }
0x35: {  	s10 =	sld [smem:$0x3FB9];
	_ =	sdelay $0x3  }
0x36: {  	p1 =	seq.s32 s10, $0x1;
	s10 =	sld [smem:$0x3FBA];
	_ =	sdelay $0x3  }
0x37: {  	[smem:$0x3FBA] =	sst s10  }
0x38: {  	s10 =	sld [smem:$0x3FBB]  }
0x39: {  	_ = 	snop;
	(pc) =	sbr.ind lr, $3  }
0x3a: {  	_ = 	snop  }
0x3b: {  	_ = 	snop  }
0x3c: {  	p2 =	seq.s32 s10, $0x1;
	s10 =	sld [smem:$0x3FBA]  }
0x3d: {  	_ =	shalt  }
0x3e: {  	_ =	shalt  }
0x3f: {  	_ =	shalt  }
0x40: {  	_ =	shalt  }
0x41: {  	_ =	shalt  }
0x42: {  	_ =	shalt  }
0x43: {  	_ =	shalt  }
0x44: {  	_ =	shalt  }
0x45: {  	_ =	shalt  }
0x46: {  	_ =	shalt  }
0x47: {  	_ =	shalt  }
0x48: {  	_ =	shalt  }
0x49: {  	_ =	shalt  }
0x4a: {  	_ =	shalt  }
0x4b: {  	_ =	shalt  }
0x4c: {  	_ =	shalt  }
0x4d: {  	_ =	shalt  }
0x4e: {  	_ =	shalt  }
0x4f: {  	_ =	shalt  }
0x50: {  	_ =	shalt  }
0x51: {  	_ =	shalt  }
0x52: {  	_ =	shalt  }
0x53: {  	_ =	shalt  }
0x54: {  	_ =	shalt  }
0x55: {  	_ =	shalt  }
0x56: {  	_ =	shalt  }
0x57: {  	_ =	shalt  }
0x58: {  	_ =	shalt  }
0x59: {  	_ =	shalt  }
0x5a: {  	_ =	shalt  }
0x5b: {  	_ =	shalt  }
0x5c: {  	_ =	shalt  }
0x5d: {  	_ =	shalt  }
0x5e: {  	_ =	shalt  }
0x5f: {  	_ =	shalt  }
0x60: {  	_ =	shalt  }
0x61: {  	_ =	shalt  }
0x62: {  	_ =	shalt  }
0x63: {  	_ =	shalt  }
0x64: {  	_ =	shalt  }
0x65: {  	_ =	shalt  }
0x66: {  	_ =	shalt  }
0x67: {  	_ =	shalt  }
0x68: {  	_ =	shalt  }
0x69: {  	_ =	shalt  }
0x6a: {  	_ =	shalt  }
0x6b: {  	_ =	shalt  }
0x6c: {  	_ =	shalt  }
0x6d: {  	_ =	shalt  }
0x6e: {  	_ =	shalt  }
0x6f: {  	_ =	shalt  }
0x70: {  	_ =	shalt  }
0x71: {  	_ =	shalt  }
0x72: {  	_ =	shalt  }
0x73: {  	_ =	shalt  }
0x74: {  	_ =	shalt  }
0x75: {  	_ =	shalt  }
0x76: {  	_ =	shalt  }
0x77: {  	_ =	shalt  }
0x78: {  	_ =	shalt  }
0x79: {  	_ =	shalt  }
0x7a: {  	_ =	shalt  }
0x7b: {  	_ =	shalt  }
0x7c: {  	_ =	shalt  }
0x7d: {  	_ =	shalt  }
0x7e: {  	_ =	shalt  }
0x7f: {  	_ =	shalt  }
0x80: {  	_ =	shalt  }
0x81: {  	_ =	shalt  }
0x82: {  	_ =	shalt  }
0x83: {  	_ =	shalt  }
0x84: {  	_ =	shalt  }
0x85: {  	_ =	shalt  }
0x86: {  	_ =	shalt  }
0x87: {  	_ =	shalt  }
.Lfunc_end0:
.L_simem_size_0:
called_computation.1_lowered:
.L_overlay_start_0:
0x88: {  	s2 =	sld [smem:$0x3FD9]  }
0x89: {  	s3 =	sld [smem:$0x3FFE];
	_ =	sdelay $0x1  }
0x8a: {  	s1 =	srdreg.scid  }
0x8b: {  	s0 =	sand.u32 $0x1, s1  }
0x8c: {  	s17 =	sshll.u32 s0, $0xA;
	s2 =	sadd.s32 s3, s2  }
0x8d: {  	s2 =	sadd.s32 s2, s17  }
0x8e: {  	[smem:$0x3FC6] =	sst s2  }
0x8f: {  	_ = 	snop  }
0x90: {  	s2 =	sld [smem:$0x3FD0];
	(tm) =	ssettm $0x1  }
0x91: {  	s18 =	sld [smem:$0x3FFB];
	_ =	sdelay $0x3  }
0x92: {  	_ =	strace s18  }
0x93: {  	s3 =	sld [smem:$0x3FFC];
	_ =	sdelay $0x3  }
0x94: {  	_ =	strace s3  }
0x95: {  	s3 =	sld [smem:$0x3FFD];
	_ =	sdelay $0x3  }
0x96: {  	_ =	strace s3  }
0x97: {  	_ =	strace $0x8FFFFFFF  }
0x98: {  	s19 =	sld [smem:$0x3FDB];
	_ =	sdelay $0x1  }
0x99: {  	s4 =	simm.s32 $_scs_section_size  }
0x9a: {  	s5 =	simm.s32 $_size__tile_overlayer_lowered;
	s6 =	simm.s32 $_tile_overlayer_lowered  }
0x9b: {  	s22 =	simm.s32 $0x1BFF;
	s21 =	sshll.u32 s6, $0x1;
	s3 =	sadd.s32 s4, s19  }
0x9c: {  	s7 =	simm.s32 $0x0;
	s20 =	sshll.u32 s5, $0x1;
	s5 =	sadd.s32 s21, s3  }
0x9d: {  	[timem:s7], [sflag:s22] =	dma.local [hbm:s5], s20  }
0x9e: {  	_ =	swait.ge [sflag:s22], s20  }
0x9f: {  	s4 =	ssub.s32 $0x0, s20;
	[sflag:s22] =	ssyncset.done $0x0  }
0xa0: {  	[sflag:s22] =	ssyncadd.s32 s4;
	_ =	sdelay $0x1  }
0xa1: {  	s23 =	simm.s32 $0x1B8B  }
0xa2: {  	_ =	swait.ge [sflag:s23], $0x1  }
0xa3: {  	[sflag:s23] =	ssyncset.done $0x0  }
0xa4: {  	s25 =	simm.s32 $0x1B8E;
	s24 =	sld [smem:$0x3FFE];
	[sflag:s23] =	ssyncadd.s32 $0xFFFFFFFF  }
0xa5: {  	s26 =	simm.s32 $execute0_lowered;
	[smem:$0x3FD2] =	sst s25  }
0xa6: {  	s5 =	sshll.u32 s26, $0x1;
	_ =	strace $0x80000049;
	[dreg:$0x1] =	wrdreg $0xFFFFFFFF  }
0xa7: {  	s28 =	simm.s32 $_size_execute0_lowered;
	s3 =	sadd.s32 s3, s5;
	[dreg:$0x0] =	wrdreg $0x0  }
0xa8: {  	s5 =	sshll.u32 s28, $0x1;
	[dreg:$0x2] =	wrdreg s3  }
0xa9: {  	[dreg:$0x3] =	wrdreg s5  }
0xaa: {  	[dreg:$0x4] =	wrdreg $0xC0  }
0xab: {  	_ =	task [dreg:s7], $0x5FFFF  }
0xac: {  	[dreg:$0x1] =	wrdreg $0xFFFFFFFF  }
0xad: {  	[dreg:$0x0] =	wrdreg $0x60  }
0xae: {  	[dreg:$0x2] =	wrdreg s24  }
0xaf: {  	[dreg:$0x3] =	wrdreg s2  }
0xb0: {  	[dreg:$0x4] =	wrdreg $0x9  }
0xb1: {  	_ =	task.clear_ibuf [dreg:s7], $0x5FFFF;
	_ =	strace $0x90000049  }
0xb2: {  	s29 =	simm.s32 $0x9;
	_ =	strace $0x8000004B  }
0xb3: {  	_ =	swait.ge [sflag:s29], $0x1  }
0xb4: {  	[sflag:s29] =	ssyncadd.s32 $0xFFFFFFFF  }
0xb5: {  	_ =	strace $0x9000004B  }
0xb6: {  	_ =	sfence  }
0xb7: {  	s30 =	sld [smem:$0x0];
	_ =	sdelay $0x2  }
0xb8: {  	s31 =	sshll.u32 s1, $0xD;
	s1 =	sshrl.u32 s1, $0x2  }
0xb9: {  	s3 =	sand.u32 $0x4000, s31;
	s1 =	sadd.s32 s1, s30  }
0xba: {  	s0 =	sor.u32 s3, s0;
	s1 =	sshll.u32 s1, $0x11  }
0xbb: {  	s0 =	sor.u32 s1, s0  }
0xbc: {  	s0 =	sadd.s32 $0x8F2B, s0  }
0xbd: {  	[sflag:s0] =	ssyncadd.remote.s32 $0x1  }
0xbe: {  	_ =	sfence.sel $0xFFFF  }
0xbf: {  	[dreg:$0x0] =	wrdreg $0xFFFFFFFF;
	(pc) =	sbr.abs _section_cstart, $3  }
0xc0: {  	[dreg:$0x1] =	wrdreg $0xFFFFFFFF  }
0xc1: {  	_ =	task.clear_ibuf [dreg:s7], $0x2FFFF;
	_ =	strace $0x9FFFFFFF  }
0xc2: {  	(tm) =	ssettm $0x7FFFFFFF  }
0xc3: {  	_ =	shalt  }
tec
execute0_lowered:
.L_overlay_start_1:
0x0: {  	(tag) =	ssettag $0x1  }
0x1: {  	s5 =	rddreg [dreg:$0x0]  }
0x2: {  	s1 =	rddreg [dreg:$0x1]  }
0x3: {  	s0 =	rddreg [dreg:$0x2];
	s2 =	simm.s32 $0x0;
	s3 =	srdreg.scid  }
0x4: {  	s10 =	simm.s32 $0x8;
	s11 =	simm.s32 $0x0;
	[smem:$0x7FF] =	sst s2  }
.Ltmp0:
0x5: {  	s6 =	sand.u32 $0x1, s3;
	s3 =	stileid.u32;
	(pc) =	sbr.rel .LBB2_1-.Ltmp0, $4  }
0x6: {  	s4 =	sadd.s32 $0x1E9000, s5;
	s5 =	sadd.s32 $0xA00, s5;
	s7 =	ssub.s32 $0x2, s6  }
0x7: {  	_ =	strace $0x8000004A;
	s9 =	sshll.u32 s3, $0x1;
	s8 =	sshrl.u32 s7, $0x1  }
0x8: {  	v0 =	vlaneseq.u32;
	s6 =	sor.u32 s6, s9;
	s9 =	simm.s32 $0x7;
	s8 =	ssub.s32 s7, s8  }
0x9: {  	v0 =	vmul.u32 $0x10, v0;
	s6 =	smul.u32 $0x64, s6;
	s7 =	sadd.s32 $0x4000, s1;
	s8 =	smax.u32 s8, $0x1  }
.LBB2_7:
0xa: {  	_ =	swait.ge [sflag:s9], $0x2000  }
0xb: {  	[sflag:s9] =	ssyncset.done $0x0  }
0xc: {  	[sflag:s9] =	ssyncadd.s32 $0xFFFFE000  }
0xd: {  	_ =	swait.ge [sflag:s9], $0x2000  }
0xe: {  	[sflag:s9] =	ssyncset.done $0x0  }
0xf: {  	s11 =	sadd.s32 $0x1, s11;
	[sflag:s9] =	ssyncadd.s32 $0xFFFFE000  }
0x10: {  	p0 =	sne.s32 s11, s8;
	_ =	swait.ge [sflag:s10], $0x2000  }
.Ltmp1:
0x11: {  	[sflag:s10] =	ssyncset.done $0x0;
	(pc) =	sbr.rel @!p0 .LBB2_8-.Ltmp1, $4  }
0x12: {  	[sflag:s10] =	ssyncadd.s32 $0xFFFFE000  }
0x13: {  	_ =	swait.ge [sflag:s10], $0x2000  }
0x14: {  	[sflag:s10] =	ssyncset.done $0x0  }
0x15: {  	[sflag:s10] =	ssyncadd.s32 $0xFFFFE000  }
.LBB2_1:
.Ltmp2:
0x16: {  	(pc) =	sbr.rel .LBB2_2-.Ltmp2, $2  }
0x17: {  	_ =	sdelay $0x2  }
0x18: {  	p0 =	por $0x0, $0x0;
	s12 =	simm.s32 $0x0  }
.LBB2_6:
0x19: {  	s12 =	sadd.s32 $0x1, s12  }
0x1a: {  	p1 =	sne.s32 s12, $0x66  }
.Ltmp3:
0x1b: {  	_ = 	snop;
	(pc) =	sbr.rel @!p1 .LBB2_7-.Ltmp3, $2  }
0x1c: {  	_ =	sdelay $0x2  }
0x1d: {  	p0 =	por !p0, !p0  }
.LBB2_2:
0x1e: {  	p1 =	sgt.u32 s12, $0x63  }
0x1f: {  	s14 =	sadd.s32 @!p1 s6, s12  }
0x20: {  	s13 =	sand.u32 @!p1 $0x3, s12;
	s16 =	simm.s32 @!p1 $0x0;
	s14 =	sshll.u32 @!p1 s14, $0x7  }
0x21: {  	s15 =	sshll.u32 @!p1 s13, $0xA;
	s13 =	sadd.s32 @!p1 $0x1, s13;
	s14 =	sadd.s32 @!p1 s4, s14  }
0x22: {  	[tilespmem:s15], [sflag:s13] =	stream.linear.gather @!p1 [hbm4b:s14+s16], $0x400, $0x38;
	[tilespmem:$0x11000] =	vst v63  }
0x23: {  	s13 =	sadd.s32 $0xFFFFFFFF, s12  }
0x24: {  	p1 =	sgt.u32 s13, $0x63  }
0x25: {  	s14 =	sand.u32 @!p1 $0x3, s13  }
0x26: {  	s15 =	sadd.s32 @!p1 $0x1, s14  }
0x27: {  	_ =	swait.ge @!p1 [sflag:s15], $0x400  }
0x28: {  	s13 =	sand.u32 @!p1 $0x1, s13;
	[sflag:s15] =	ssyncset.done @!p1 $0x0  }
0x29: {  	s16 =	simm.s32 @!p1 $0x400;
	[sflag:s15] =	ssyncadd.s32 @!p1 $0xFFFFFC00;
	s15 =	sshll.u32 @!p1 s13, $0xE  }
0x2a: {  	s14 =	sshll.u32 @!p1 s14, $0xA;
	s13 =	sadd.s32 @!p1 $0x5, s13;
	s15 =	sor.u32 @!p1 $0x1000, s15  }
0x2b: {  	[tilespmem:s15], [sflag:s13] =	stream.indirect.gather @!p1 [hbm4b:s5+s16], $0x10, s14, s16, $0xb8;
	[tilespmem:$0x11000] =	vst v63  }
0x2c: {  	s13 =	sadd.s32 $0xFFFFFFFE, s12  }
0x2d: {  	p1 =	sgt.u32 s13, $0x63  }
.Ltmp4:
0x2e: {  	_ = 	snop;
	(pc) =	sbr.rel @p1 .LBB2_6-.Ltmp4, $1  }
0x2f: {  	_ =	sdelay $0x3  }
0x30: {  	s14 =	sadd.s32 s6, s13;
	p1 =	slt.u32 s12, $0x4  }
0x31: {  	s15 =	sadd.s32 @!p1 $0xFFFFFFFE, s14  }
0x32: {  	s13 =	sand.u32 $0x1, s12;
	s16 =	sshrl.u32 @!p1 s15, $0x1F  }
0x33: {  	s18 =	simm.s32 $0x0;
	s17 =	sadd.s32 $0x5, s13;
	s16 =	sadd.s32 @!p1 s16, s15  }
0x34: {  	v1 =	vmov s18;
	s19 =	sand.u32 $0x380, s18;
	_ =	swait.ge [sflag:s17], $0x4000;
	s16 =	sand.u32 @!p1 $0xFFFFFFFE, s16  }
0x35: {  	v2 =	vmov s19;
	v1 =	vand.u32 $0x7, v1;
	[sflag:s17] =	ssyncset.done $0x0;
	s15 =	ssub.s32 @!p1 s15, s16  }
0x36: {  	v2 =	vshll.u32 v2, $0x4;
	v3 =	vbroadcast v1, $0x0;
	[sflag:s17] =	ssyncadd.s32 $0xFFFFC000;
	s16 =	sadd.s32 @!p1 $0x7, s15  }
0x37: {  	v2 =	vor.u32 v0, v2;
	_ =	swait.ge @!p1 [sflag:s16], $0x2000  }
0x38: {  	v4 =	vor.u32 v3, v2;
	[sflag:s16] =	ssyncset.done @!p1 $0x0  }
0x39: {  	[sflag:s16] =	ssyncadd.s32 @!p1 $0xFFFFE000  }
0x3a: {  	s26 =	sor.u32 $0x10, s19;
	_ =	swait.ge @!p1 [sflag:s16], $0x2000  }
0x3b: {  	v5 =	vmov s26;
	s15 =	sshll.u32 s13, $0xE;
	[sflag:s16] =	ssyncset.done @!p1 $0x0  }
0x3c: {  	v5 =	vshll.u32 v5, $0x4;
	[sflag:s16] =	ssyncadd.s32 @!p1 $0xFFFFE000;
	s16 =	sor.u32 $0x1000, s15  }
0x3d: {  	v5 =	vor.u32 v0, v5;
	v4 =	vld.idx.msk [tilespmem:v4+s16+$0x0], $0xffff  }
0x3e: {  	s17 =	simm.s32 $0x1;
	v6 =	vor.u32 v3, v5  }
0x3f: {  	s17 =	simm.s32 @!p0 $0x0  }
0x40: {  	s20 =	sor.u32 $0x20, s19;
	s17 =	sshll.u32 s17, $0xE  }
0x41: {  	v7 =	vmov s20;
	s17 =	sor.u32 $0xB000, s17  }
0x42: {  	[tilespmem:s17+$0xFFFFE000] =	vst v4;
	v4 =	vshll.u32 v7, $0x4  }
0x43: {  	v6 =	vld.idx.msk [tilespmem:v6+s16+$0x0], $0xffff;
	v4 =	vor.u32 v0, v4  }
0x44: {  	v54 =	vor.u32 v3, v4;
	_ =	sdelay $0x1  }
0x45: {  	s28 =	sor.u32 $0x30, s19  }
0x46: {  	v8 =	vmov s28  }
0x47: {  	v55 =	vshll.u32 v8, $0x4;
	[tilespmem:s17+$0xFFFFE010] =	vst v6  }
0x48: {  	v6 =	vor.u32 v0, v55;
	v7 =	vld.idx.msk [tilespmem:v54+s16+$0x0], $0xffff  }
0x49: {  	v56 =	vor.u32 v3, v6;
	_ =	sdelay $0x1  }
0x4a: {  	s29 =	sor.u32 $0x40, s19  }
0x4b: {  	v9 =	vmov s29  }
0x4c: {  	v57 =	vshll.u32 v9, $0x4;
	[tilespmem:s17+$0xFFFFE020] =	vst v7  }
0x4d: {  	v7 =	vor.u32 v0, v57;
	v8 =	vld.idx.msk [tilespmem:v56+s16+$0x0], $0xffff  }
0x4e: {  	v58 =	vor.u32 v3, v7;
	_ =	sdelay $0x1  }
0x4f: {  	s30 =	sor.u32 $0x50, s19  }
0x50: {  	v10 =	vmov s30  }
0x51: {  	v59 =	vshll.u32 v10, $0x4;
	[tilespmem:s17+$0xFFFFE030] =	vst v8  }
0x52: {  	v8 =	vor.u32 v0, v59;
	v9 =	vld.idx.msk [tilespmem:v58+s16+$0x0], $0xffff  }
0x53: {  	v60 =	vor.u32 v3, v8;
	_ =	sdelay $0x1  }
0x54: {  	s19 =	sor.u32 $0x60, s19  }
0x55: {  	v11 =	vmov s19  }
0x56: {  	v61 =	vshll.u32 v11, $0x4;
	[tilespmem:s17+$0xFFFFE040] =	vst v9  }
0x57: {  	v9 =	vor.u32 v0, v61;
	v10 =	vld.idx.msk [tilespmem:v60+s16+$0x0], $0xffff  }
0x58: {  	v62 =	vor.u32 v3, v9;
	_ =	sdelay $0x1  }
0x59: {  	s18 =	sor.u32 $0x70, s18  }
0x5a: {  	v12 =	vmov s18  }
0x5b: {  	v63 =	vshll.u32 v12, $0x4;
	[tilespmem:s17+$0xFFFFE050] =	vst v10  }
0x5c: {  	v10 =	vor.u32 v0, v63;
	v11 =	vld.idx.msk [tilespmem:v62+s16+$0x0], $0xffff  }
0x5d: {  	v3 =	vor.u32 v3, v10;
	_ =	sdelay $0x2  }
0x5e: {  	v1 =	vor.u32 $0x8, v1  }
0x5f: {  	v1 =	vbroadcast v1, $0x0;
	[tilespmem:s17+$0xFFFFE060] =	vst v11  }
0x60: {  	v3 =	vld.idx.msk [tilespmem:v3+s16+$0x0], $0xffff  }
0x61: {  	v2 =	vor.u32 v2, v1;
	_ =	sdelay $0x3  }
0x62: {  	[tilespmem:s17+$0xFFFFE070] =	vst v3  }
0x63: {  	v2 =	vld.idx.msk [tilespmem:v2+s16+$0x0], $0xffff  }
0x64: {  	v3 =	vor.u32 v5, v1;
	_ =	sdelay $0x3  }
0x65: {  	[tilespmem:s17+$0x0] =	vst v2  }
0x66: {  	v2 =	vld.idx.msk [tilespmem:v3+s16+$0x0], $0xffff  }
0x67: {  	v3 =	vor.u32 v4, v1;
	_ =	sdelay $0x3  }
0x68: {  	[tilespmem:s17+$0x10] =	vst v2  }
0x69: {  	v2 =	vld.idx.msk [tilespmem:v3+s16+$0x0], $0xffff  }
0x6a: {  	v3 =	vor.u32 v6, v1;
	_ =	sdelay $0x3  }
0x6b: {  	[tilespmem:s17+$0x20] =	vst v2  }
0x6c: {  	v2 =	vld.idx.msk [tilespmem:v3+s16+$0x0], $0xffff  }
0x6d: {  	v3 =	vor.u32 v7, v1;
	_ =	sdelay $0x3  }
0x6e: {  	[tilespmem:s17+$0x30] =	vst v2  }
0x6f: {  	v2 =	vld.idx.msk [tilespmem:v3+s16+$0x0], $0xffff  }
0x70: {  	v3 =	vor.u32 v8, v1;
	_ =	sdelay $0x3  }
0x71: {  	[tilespmem:s17+$0x40] =	vst v2  }
0x72: {  	v2 =	vld.idx.msk [tilespmem:v3+s16+$0x0], $0xffff  }
0x73: {  	v3 =	vor.u32 v9, v1;
	_ =	sdelay $0x3  }
0x74: {  	[tilespmem:s17+$0x50] =	vst v2  }
0x75: {  	v2 =	vld.idx.msk [tilespmem:v3+s16+$0x0], $0xffff  }
0x76: {  	v1 =	vor.u32 v10, v1;
	_ =	sdelay $0x1  }
0x77: {  	s31 =	simm.s32 $0x1;
	s18 =	simm.s32 $0x10  }
0x78: {  	s20 =	sand.u32 $0x380, s18;
	s19 =	simm.s32 $0x2;
	v3 =	vmov s31  }
.LBB2_4:
0x79: {  	p1 =	sne.s32 s19, $0x3F;
	v4 =	vmov s20;
	v3 =	vand.u32 $0x7, v3;
	[tilespmem:s17+$0x60] =	vst v2  }
0x7a: {  	v2 =	vshll.u32 v4, $0x4;
	v4 =	vbroadcast v3, $0x0;
	v1 =	vld.idx.msk [tilespmem:v1+s16+$0x0], $0xffff  }
0x7b: {  	v2 =	vor.u32 v0, v2  }
0x7c: {  	v5 =	vor.u32 v4, v2;
	_ =	sdelay $0x2  }
0x7d: {  	s21 =	sor.u32 $0x10, s20  }
0x7e: {  	v6 =	vmov s21;
	[tilespmem:s17+$0x70] =	vst v1  }
0x7f: {  	v1 =	vld.idx.msk [tilespmem:v5+s16+$0x0], $0xffff;
	v5 =	vshll.u32 v6, $0x4  }
0x80: {  	v5 =	vor.u32 v0, v5  }
0x81: {  	v6 =	vor.u32 v4, v5;
	_ =	sdelay $0x2  }
0x82: {  	s21 =	sor.u32 $0x20, s20;
	s17 =	sadd.s32 $0x80, s17  }
0x83: {  	[tilespmem:s17+$0xFFFFE000] =	vst v1;
	v1 =	vmov s21  }
0x84: {  	v6 =	vld.idx.msk [tilespmem:v6+s16+$0x0], $0xffff;
	v1 =	vshll.u32 v1, $0x4  }
0x85: {  	v1 =	vor.u32 v0, v1  }
0x86: {  	v7 =	vor.u32 v4, v1;
	_ =	sdelay $0x2  }
0x87: {  	s21 =	sor.u32 $0x30, s20  }
0x88: {  	[tilespmem:s17+$0xFFFFE010] =	vst v6;
	v6 =	vmov s21  }
0x89: {  	v7 =	vld.idx.msk [tilespmem:v7+s16+$0x0], $0xffff;
	v6 =	vshll.u32 v6, $0x4  }
0x8a: {  	v6 =	vor.u32 v0, v6  }
0x8b: {  	v8 =	vor.u32 v4, v6;
	_ =	sdelay $0x2  }
0x8c: {  	s21 =	sor.u32 $0x40, s20  }
0x8d: {  	[tilespmem:s17+$0xFFFFE020] =	vst v7;
	v7 =	vmov s21  }
0x8e: {  	v8 =	vld.idx.msk [tilespmem:v8+s16+$0x0], $0xffff;
	v7 =	vshll.u32 v7, $0x4  }
0x8f: {  	v7 =	vor.u32 v0, v7  }
0x90: {  	v9 =	vor.u32 v4, v7;
	_ =	sdelay $0x2  }
0x91: {  	s21 =	sor.u32 $0x50, s20  }
0x92: {  	[tilespmem:s17+$0xFFFFE030] =	vst v8;
	v8 =	vmov s21  }
0x93: {  	v9 =	vld.idx.msk [tilespmem:v9+s16+$0x0], $0xffff;
	v8 =	vshll.u32 v8, $0x4  }
0x94: {  	v8 =	vor.u32 v0, v8  }
0x95: {  	v10 =	vor.u32 v4, v8;
	_ =	sdelay $0x2  }
0x96: {  	s20 =	sor.u32 $0x60, s20  }
0x97: {  	[tilespmem:s17+$0xFFFFE040] =	vst v9;
	v9 =	vmov s20  }
0x98: {  	v10 =	vld.idx.msk [tilespmem:v10+s16+$0x0], $0xffff;
	v9 =	vshll.u32 v9, $0x4  }
0x99: {  	v9 =	vor.u32 v0, v9  }
0x9a: {  	v11 =	vor.u32 v4, v9;
	_ =	sdelay $0x2  }
0x9b: {  	s20 =	sor.u32 $0x70, s18  }
0x9c: {  	[tilespmem:s17+$0xFFFFE050] =	vst v10;
	v10 =	vmov s20  }
0x9d: {  	v11 =	vld.idx.msk [tilespmem:v11+s16+$0x0], $0xffff;
	v10 =	vshll.u32 v10, $0x4  }
0x9e: {  	v10 =	vor.u32 v0, v10  }
0x9f: {  	v4 =	vor.u32 v4, v10;
	_ =	sdelay $0x3  }
0xa0: {  	v3 =	vor.u32 $0x8, v3;
	[tilespmem:s17+$0xFFFFE060] =	vst v11  }
0xa1: {  	v3 =	vbroadcast v3, $0x0;
	v4 =	vld.idx.msk [tilespmem:v4+s16+$0x0], $0xffff;
	_ =	sdelay $0x1  }
0xa2: {  	v2 =	vor.u32 v2, v3;
	_ =	sdelay $0x3  }
0xa3: {  	[tilespmem:s17+$0xFFFFE070] =	vst v4  }
0xa4: {  	v2 =	vld.idx.msk [tilespmem:v2+s16+$0x0], $0xffff;
	_ =	sdelay $0x1  }
0xa5: {  	v4 =	vor.u32 v5, v3;
	_ =	sdelay $0x3  }
0xa6: {  	[tilespmem:s17+$0x0] =	vst v2  }
0xa7: {  	v2 =	vld.idx.msk [tilespmem:v4+s16+$0x0], $0xffff;
	_ =	sdelay $0x1  }
0xa8: {  	v1 =	vor.u32 v1, v3;
	_ =	sdelay $0x3  }
0xa9: {  	[tilespmem:s17+$0x10] =	vst v2  }
0xaa: {  	v1 =	vld.idx.msk [tilespmem:v1+s16+$0x0], $0xffff;
	_ =	sdelay $0x1  }
0xab: {  	v2 =	vor.u32 v6, v3;
	_ =	sdelay $0x3  }
0xac: {  	[tilespmem:s17+$0x20] =	vst v1  }
0xad: {  	v1 =	vld.idx.msk [tilespmem:v2+s16+$0x0], $0xffff;
	_ =	sdelay $0x1  }
0xae: {  	v2 =	vor.u32 v7, v3;
	_ =	sdelay $0x3  }
0xaf: {  	[tilespmem:s17+$0x30] =	vst v1  }
0xb0: {  	v1 =	vld.idx.msk [tilespmem:v2+s16+$0x0], $0xffff;
	_ =	sdelay $0x1  }
0xb1: {  	v2 =	vor.u32 v8, v3;
	_ =	sdelay $0x3  }
0xb2: {  	[tilespmem:s17+$0x40] =	vst v1  }
0xb3: {  	v1 =	vld.idx.msk [tilespmem:v2+s16+$0x0], $0xffff;
	_ =	sdelay $0x1  }
0xb4: {  	v2 =	vor.u32 v9, v3;
	_ =	sdelay $0x3  }
0xb5: {  	[tilespmem:s17+$0x50] =	vst v1  }
0xb6: {  	v2 =	vld.idx.msk [tilespmem:v2+s16+$0x0], $0xffff  }
.Ltmp5:
0xb7: {  	(pc) =	sbr.rel @p1 .LBB2_4-.Ltmp5, $3  }
0xb8: {  	v1 =	vor.u32 v10, v3;
	_ =	sdelay $0x1  }
0xb9: {  	s18 =	sadd.s32 $0x10, s18  }
0xba: {  	s20 =	sand.u32 $0x380, s18;
	v3 =	vmov s19;
	s19 =	sadd.s32 $0x1, s19  }
0xbb: {  	_ =	sdelay $0x1  }
0xbc: {  	v4 =	vmov s20;
	v3 =	vand.u32 $0x7, v3  }
0xbd: {  	[tilespmem:s17+$0x60] =	vst v2;
	v2 =	vshll.u32 v4, $0x4;
	v51 =	vbroadcast v3, $0x0  }
0xbe: {  	v1 =	vld.idx.msk [tilespmem:v1+s16+$0x0], $0xffff;
	v2 =	vor.u32 v0, v2  }
0xbf: {  	v5 =	vor.u32 v51, v2;
	_ =	sdelay $0x1  }
0xc0: {  	s19 =	sor.u32 $0x10, s20  }
0xc1: {  	v6 =	vmov s19  }
0xc2: {  	[tilespmem:s17+$0x70] =	vst v1;
	v1 =	vshll.u32 v6, $0x4  }
0xc3: {  	v1 =	vor.u32 v0, v1;
	v5 =	vld.idx.msk [tilespmem:v5+s16+$0x0], $0xffff  }
0xc4: {  	v52 =	vor.u32 v51, v1;
	_ =	sdelay $0x1  }
0xc5: {  	s30 =	sor.u32 $0x20, s20  }
0xc6: {  	s31 =	sadd.s32 $0x80, s17;
	v7 =	vmov s30  }
0xc7: {  	v53 =	vshll.u32 v7, $0x4;
	[tilespmem:s31+$0xFFFFE000] =	vst v5  }
0xc8: {  	v5 =	vor.u32 v0, v53;
	v6 =	vld.idx.msk [tilespmem:v52+s16+$0x0], $0xffff  }
0xc9: {  	v54 =	vor.u32 v51, v5;
	_ =	sdelay $0x1  }
0xca: {  	s21 =	sor.u32 $0x30, s20  }
0xcb: {  	v8 =	vmov s21  }
0xcc: {  	v55 =	vshll.u32 v8, $0x4;
	[tilespmem:s31+$0xFFFFE010] =	vst v6  }
0xcd: {  	v6 =	vor.u32 v0, v55;
	v7 =	vld.idx.msk [tilespmem:v54+s16+$0x0], $0xffff  }
0xce: {  	v56 =	vor.u32 v51, v6;
	_ =	sdelay $0x1  }
0xcf: {  	s22 =	sor.u32 $0x40, s20  }
0xd0: {  	v9 =	vmov s22  }
0xd1: {  	v57 =	vshll.u32 v9, $0x4;
	[tilespmem:s31+$0xFFFFE020] =	vst v7  }
0xd2: {  	v7 =	vor.u32 v0, v57;
	v8 =	vld.idx.msk [tilespmem:v56+s16+$0x0], $0xffff  }
0xd3: {  	v58 =	vor.u32 v51, v7;
	_ =	sdelay $0x1  }
0xd4: {  	s23 =	sor.u32 $0x50, s20  }
0xd5: {  	v10 =	vmov s23  }
0xd6: {  	v59 =	vshll.u32 v10, $0x4;
	[tilespmem:s31+$0xFFFFE030] =	vst v8  }
0xd7: {  	v8 =	vor.u32 v0, v59;
	v9 =	vld.idx.msk [tilespmem:v58+s16+$0x0], $0xffff  }
0xd8: {  	v60 =	vor.u32 v51, v8;
	_ =	sdelay $0x1  }
0xd9: {  	s24 =	sor.u32 $0x60, s20  }
0xda: {  	v11 =	vmov s24  }
0xdb: {  	v61 =	vshll.u32 v11, $0x4;
	[tilespmem:s31+$0xFFFFE040] =	vst v9  }
0xdc: {  	v9 =	vor.u32 v0, v61;
	v10 =	vld.idx.msk [tilespmem:v60+s16+$0x0], $0xffff  }
0xdd: {  	v62 =	vor.u32 v51, v9;
	_ =	sdelay $0x1  }
0xde: {  	s18 =	sor.u32 $0x70, s18  }
0xdf: {  	v12 =	vmov s18  }
0xe0: {  	v63 =	vshll.u32 v12, $0x4;
	[tilespmem:s31+$0xFFFFE050] =	vst v10  }
0xe1: {  	v10 =	vor.u32 v0, v63;
	v11 =	vld.idx.msk [tilespmem:v62+s16+$0x0], $0xffff  }
0xe2: {  	v4 =	vor.u32 v51, v10;
	_ =	sdelay $0x2  }
0xe3: {  	v3 =	vor.u32 $0x8, v3  }
0xe4: {  	v3 =	vbroadcast v3, $0x0;
	[tilespmem:s31+$0xFFFFE060] =	vst v11  }
0xe5: {  	v4 =	vld.idx.msk [tilespmem:v4+s16+$0x0], $0xffff  }
0xe6: {  	v2 =	vor.u32 v2, v3;
	_ =	sdelay $0x3  }
0xe7: {  	[tilespmem:s31+$0xFFFFE070] =	vst v4  }
0xe8: {  	v2 =	vld.idx.msk [tilespmem:v2+s16+$0x0], $0xffff  }
0xe9: {  	v1 =	vor.u32 v1, v3;
	_ =	sdelay $0x3  }
0xea: {  	[tilespmem:s31+$0x0] =	vst v2  }
0xeb: {  	v1 =	vld.idx.msk [tilespmem:v1+s16+$0x0], $0xffff  }
0xec: {  	v2 =	vor.u32 v5, v3;
	_ =	sdelay $0x3  }
0xed: {  	[tilespmem:s31+$0x10] =	vst v1  }
0xee: {  	v1 =	vld.idx.msk [tilespmem:v2+s16+$0x0], $0xffff  }
0xef: {  	v2 =	vor.u32 v6, v3;
	_ =	sdelay $0x3  }
0xf0: {  	[tilespmem:s31+$0x20] =	vst v1  }
0xf1: {  	v1 =	vld.idx.msk [tilespmem:v2+s16+$0x0], $0xffff  }
0xf2: {  	v2 =	vor.u32 v7, v3;
	_ =	sdelay $0x3  }
0xf3: {  	[tilespmem:s31+$0x30] =	vst v1  }
0xf4: {  	v1 =	vld.idx.msk [tilespmem:v2+s16+$0x0], $0xffff  }
0xf5: {  	v2 =	vor.u32 v8, v3;
	_ =	sdelay $0x3  }
0xf6: {  	[tilespmem:s31+$0x40] =	vst v1  }
0xf7: {  	v1 =	vld.idx.msk [tilespmem:v2+s16+$0x0], $0xffff  }
0xf8: {  	v2 =	vor.u32 v9, v3;
	_ =	sdelay $0x3  }
0xf9: {  	[tilespmem:s31+$0x50] =	vst v1  }
0xfa: {  	v1 =	vld.idx.msk [tilespmem:v2+s16+$0x0], $0xffff  }
0xfb: {  	v2 =	vor.u32 v10, v3  }
0xfc: {  	s25 =	sand.u32 $0xF, s14  }
0xfd: {  	p1 =	slt.s32 s14, $0x1;
	p2 =	sne.s32 s25, $0x0  }
0xfe: {  	p1 =	por !p1, !p2  }
0xff: {  	s19 =	simm.s32 $0x1;
	p1 =	por !p1, !p1;
	[tilespmem:s31+$0x60] =	vst v1  }
0x100: {  	s26 =	sshrl.u32 s14, $0x4;
	s19 =	simm.s32 @!p1 $0x0;
	v1 =	vld.idx.msk [tilespmem:v2+s16+$0x0], $0xffff  }
0x101: {  	s14 =	ssub.s32 s26, s19  }
0x102: {  	s28 =	sshll.u32 s25, $0xD;
	s14 =	sshll.u32 s14, $0x12  }
0x103: {  	s14 =	sor.u32 s28, s14  }
.Ltmp6:
0x104: {  	s14 =	sshrl.u32 s14, $0x3;
	(pc) =	sbr.rel .LBB2_6-.Ltmp6, $4  }
0x105: {  	s13 =	sadd.s32 $0x7, s13;
	s30 =	sor.u32 $0x9000, s15;
	s29 =	sadd.s32 s1, s14;
	[tilespmem:s31+$0x70] =	vst v1  }
0x106: {  	[hbm4b:s29+s2] =	stream.linear.scatter [tilespmem:s30], [sflag:s13], $0x2000, $0x38;
	[tilespmem:$0x11000] =	vst v63  }
0x107: {  	s14 =	sadd.s32 s14, s7;
	s31 =	sor.u32 $0xB000, s15  }
0x108: {  	[hbm4b:s14+s2] =	stream.linear.scatter [tilespmem:s31], [sflag:s13], $0x2000, $0x38;
	[tilespmem:$0x11000] =	vst v63  }
.LBB2_8:
0x109: {  	_ =	sfence.sel $0x180000  }
0x10a: {  	[bflag:$0x0] =	sbarrier.arrive $0xFFFF  }
0x10b: {  	p0 =	sne.s32 s3, $0x0;
	_ =	strace $0x9000004A  }
0x10c: {  	s0 =	sadd.s32 @!p0 $0x100000, s0;
	[bflag:$0x2] =	sbarrier.arrive $0xFFFF  }
0x10d: {  	[sflag:s0] =	ssyncadd.tile.s32 @!p0 $0x1;
	_ =	shalt  }
.Lfunc_end2:
_tile_overlayer_lowered:
.L_overlay_start_2:
0x10e: {  	(tag) =	ssettag $0x2  }
0x10f: {  	s0 =	rddreg [dreg:$0x0];
	s2 =	stileid.u32  }
0x110: {  	s1 =	rddreg [dreg:$0x1];
	p0 =	sne.s32 s2, $0x0  }
0x111: {  	s3 =	rddreg [dreg:$0x2];
	[bflag:$0x3] =	sbarrier.arrive $0xFFFF;
	s2 =	simm.s32 @!p0 $0x1C09  }
0x112: {  	[timem:s3], [sflag:s2] =	dma.local @!p0 [hbm:s0], s1  }
0x113: {  	s0 =	simm.s32 @!p0 $0x9  }
0x114: {  	_ =	swait.ge @!p0 [sflag:s0], s1  }
0x115: {  	s1 =	ssub.s32 @!p0 $0x0, s1;
	[sflag:s0] =	ssyncset.done @!p0 $0x0  }
0x116: {  	[sflag:s0] =	ssyncadd.s32 @!p0 s1  }
0x117: {  	[bflag:$0x3] =	sbarrier.arrive $0xFFFF  }
0x118: {  	_ =	shalt  }

</sc_bundles>
